<compile_context>
chip_gen: v7x
topology: tpu7x:2x2x1
jax: 0.10.2.dev20260603
libtpu: 0.0.44.dev20260713+nightly
codegen_flags: <defaults>
</compile_context>

<pallas_src>
import math

import jax
import jax.numpy as jnp
from jax import lax
from jax.experimental import pallas as pl
from jax.experimental.pallas import tpu as pltpu
from jax.experimental.pallas import tpu_sc as plsc

D_MODEL = 64
SCALE = math.sqrt(D_MODEL)

NC = 2
NS = 16
NW = NC * NS

C = 128
NBUF = 2


def _scale_chunk(src, dst):

    @plsc.parallel_loop(0, C, unroll=4)
    def body(r):
        for q in range(D_MODEL // 16):
            dst[r, pl.ds(q * 16, 16)] = src[r, pl.ds(q * 16, 16)] * SCALE


def _body(table, idx_hbm, out_hbm, idx_v, in_bufs, out_bufs, gsems, osems):
    n_w = idx_hbm.shape[0] // NW
    steps = n_w // C
    wid = lax.axis_index("s") * NC + lax.axis_index("c")
    base = wid * n_w
    pltpu.sync_copy(idx_hbm.at[pl.ds(base, n_w)], idx_v)

    def fire_gather(s, b):
        pltpu.async_copy(
            table.at[idx_v.at[pl.ds(s * C, C)]], in_bufs.at[b], gsems.at[b]
        )

    def wait_gather(b):
        pltpu.make_async_copy(
            table.at[pl.ds(0, C)], in_bufs.at[b], gsems.at[b]
        ).wait()

    def fire_scatter(s, b):
        pltpu.async_copy(
            out_bufs.at[b], out_hbm.at[pl.ds(base + s * C, C)], osems.at[b]
        )

    def wait_scatter(b):
        pltpu.make_async_copy(
            out_bufs.at[b], out_hbm.at[pl.ds(0, C)], osems.at[b]
        ).wait()

    for b in range(NBUF):
        fire_gather(b, b)

    for b in range(NBUF):
        wait_gather(b)
        _scale_chunk(in_bufs.at[b], out_bufs.at[b])
        fire_gather(b + NBUF, b)
        fire_scatter(b, b)

    def group(g, carry):
        for b in range(NBUF):
            s = g * NBUF + b
            wait_gather(b)
            wait_scatter(b)
            _scale_chunk(in_bufs.at[b], out_bufs.at[b])
            fire_gather(s + NBUF, b)
            fire_scatter(s, b)
        return carry

    lax.fori_loop(1, steps // NBUF - 1, group, 0, unroll=False)

    for b in range(NBUF):
        s = steps - NBUF + b
        wait_gather(b)
        wait_scatter(b)
        _scale_chunk(in_bufs.at[b], out_bufs.at[b])
        fire_scatter(s, b)

    for b in range(NBUF):
        wait_scatter(b)


def _gather_kernel(n_total):
    return pl.kernel(
        _body,
        out_type=jax.ShapeDtypeStruct((n_total, D_MODEL), jnp.float32),
        mesh=plsc.VectorSubcoreMesh(core_axis_name="c", subcore_axis_name="s"),
        scratch_types=[
            pltpu.VMEM((n_total // NW,), jnp.int32),
            pltpu.VMEM((NBUF, C, 128), jnp.float32),
            pltpu.VMEM((NBUF, C, D_MODEL), jnp.float32),
            pltpu.SemaphoreType.DMA((NBUF,)),
            pltpu.SemaphoreType.DMA((NBUF,)),
        ],
        compiler_params=pltpu.CompilerParams(
            use_tc_tiling_on_sc=True, needs_layout_passes=False
        ),
    )


def kernel(x, emb_weight):
    b, s = x.shape
    n_total = b * s
    wpad = jnp.pad(emb_weight, ((0, 0), (0, 128 - D_MODEL)))
    flat_idx = x.T.reshape(n_total).astype(jnp.int32)
    out = _gather_kernel(n_total)(wpad, flat_idx)
    return jnp.transpose(out.reshape(s, b, D_MODEL), (1, 0, 2))

# --- scband reference (transcript-rebuilt; emitter-appended) ---
"""Pipeline reference for scband-embedding-83227876262234 (READ-ONLY COPY).

The authoritative reference and input builder live on the scoring server;
editing this copy changes nothing except your own understanding.
"""

import jax, jax.numpy as jnp
import numpy as np
import math

D_MODEL = 64
D_VOCAB = 1000000

def setup_inputs(seed: int = 0) -> dict:
    key = jax.random.key(seed)
    k1, k2 = jax.random.split(key)
    x = jax.random.randint(k1, (16384, 50), 0, D_VOCAB, dtype=jnp.int64 if jax.config.jax_enable_x64 else jnp.int32)
    emb_weight = jax.random.normal(k2, (D_VOCAB, D_MODEL), dtype=jnp.float32)
    return {"x": x, "emb_weight": emb_weight}

def reference(x, emb_weight):
    # Embedding lookup followed by scaling by sqrt(d_model)
    out = jnp.take(emb_weight, x, axis=0)
    return out * math.sqrt(D_MODEL)

if __name__ == "__main__":
    import jax
    _d = setup_inputs()
    print(jax.jit(kernel)(*tuple(_d.values())))

</pallas_src>

<mosaic_0001>
#map = affine_map<(d0, d1) -> (0, 0)>
#map1 = affine_map<(d0, d1) -> (0)>
module attributes {stable_mosaic.version = 14 : i64} {
  func.func @_body(%arg0: i32, %arg1: i32, %arg2: memref<1000000x128xf32, #tpu.memory_space<hbm>>, %arg3: memref<819200xi32, #tpu.memory_space<hbm>>, %arg4: memref<819200x64xf32, #tpu.memory_space<hbm>>, %arg5: memref<25600xi32, #tpu.memory_space<vmem>>, %arg6: memref<2x128x128xf32, #tpu.memory_space<vmem>>, %arg7: memref<2x128x64xf32, #tpu.memory_space<vmem>>, %arg8: memref<2x!tpu.dma_semaphore, #tpu.memory_space<semaphore_mem>>, %arg9: memref<2x!tpu.dma_semaphore, #tpu.memory_space<semaphore_mem>>) attributes {dimension_semantics = [#tpu.dimension_semantics<core_parallel>, #tpu.dimension_semantics<subcore_parallel>], iteration_bounds = array<i64: 2, 16>, scalar_prefetch = 0 : i64, scratch_operands = 5 : i64, tpu.core_type = #tpu.core_type<sc_vector_subcore>, window_params = [{transform_indices = #map}, {transform_indices = #map1}, {transform_indices = #map}]} {
    %mul3A = arith.constant 2 : i32
    %mul3A_0 = arith.muli %arg1, %mul3A : i32
    %add3A = arith.addi %mul3A_0, %arg0 : i32
    %mul3A_1 = arith.constant 25600 : i32
    %mul3A_2 = arith.muli %add3A, %mul3A_1 : i32
    "tpu.region"() ({
      %run_scoped3A = tpu.sem_alloc : memref<!tpu.dma_semaphore, #tpu.memory_space<semaphore_mem>>
      %dma_start3A_293 = tpu.memref_slice %arg3[%mul3A_2] : memref<819200xi32, #tpu.memory_space<hbm>> -> memref<25600xi32, #tpu.memory_space<hbm>>
      %dma_start3A_294 = tpu.memref_slice %arg3[%mul3A_2] : memref<819200xi32, #tpu.memory_space<hbm>> -> memref<25600xi32, #tpu.memory_space<hbm>>
      tpu.enqueue_dma source(%dma_start3A_294 : memref<25600xi32, #tpu.memory_space<hbm>>) target(%arg5 : memref<25600xi32, #tpu.memory_space<vmem>>) target_semaphore(%run_scoped3A : memref<!tpu.dma_semaphore, #tpu.memory_space<semaphore_mem>>)
      %dma_wait3A_295 = tpu.memref_slice %arg3[%mul3A_2] : memref<819200xi32, #tpu.memory_space<hbm>> -> memref<25600xi32, #tpu.memory_space<hbm>>
      %dma_wait3A_296 = tpu.memref_slice %arg3[%mul3A_2] : memref<819200xi32, #tpu.memory_space<hbm>> -> memref<25600xi32, #tpu.memory_space<hbm>>
      tpu.wait_dma2 semaphore(%run_scoped3A : memref<!tpu.dma_semaphore, #tpu.memory_space<semaphore_mem>>) src(%dma_wait3A_296 : memref<25600xi32, #tpu.memory_space<hbm>>) dst(%arg5 : memref<25600xi32, #tpu.memory_space<vmem>>)
      tpu.yield
    }) : () -> ()
    %dma_start3A = arith.constant 0 : i32
    %dma_start3A_3 = arith.constant 0 : i32
    %dma_start3A_4 = arith.constant 0 : i32
    %dma_start3A_5 = arith.constant 0 : i32
    %dma_start3A_6 = tpu.memref_slice %arg6[%dma_start3A, %dma_start3A_4, %dma_start3A_5] : memref<2x128x128xf32, #tpu.memory_space<vmem>> -> memref<1x128x128xf32, #tpu.memory_space<vmem>>
    %dma_start3A_7 = tpu.memref_squeeze %dma_start3A_6 : memref<1x128x128xf32, #tpu.memory_space<vmem>> -> memref<128x128xf32, #tpu.memory_space<vmem>>
    %dma_start3A_8 = arith.constant 0 : i32
    %dma_start3A_9 = tpu.memref_slice %arg5[%dma_start3A_8] : memref<25600xi32, #tpu.memory_space<vmem>> -> memref<128xi32, #tpu.memory_space<vmem>>
    %dma_start3A_10 = arith.constant 0 : i32
    %dma_start3A_11 = arith.constant 0 : i32
    %dma_start3A_12 = tpu.memref_slice %arg2[%dma_start3A_10, %dma_start3A_11] : memref<1000000x128xf32, #tpu.memory_space<hbm>> -> memref<1000000x128xf32, #tpu.memory_space<hbm>>
    %dma_start3A_13 = tpu.memref_slice %arg8[%dma_start3A_3] : memref<2x!tpu.dma_semaphore, #tpu.memory_space<semaphore_mem>> -> memref<1x!tpu.dma_semaphore, #tpu.memory_space<semaphore_mem>>
    %dma_start3A_14 = tpu.memref_squeeze %dma_start3A_13 : memref<1x!tpu.dma_semaphore, #tpu.memory_space<semaphore_mem>> -> memref<!tpu.dma_semaphore, #tpu.memory_space<semaphore_mem>>
    tpu.enqueue_indirect_dma source(%dma_start3A_12 : memref<1000000x128xf32, #tpu.memory_space<hbm>>) target(%dma_start3A_7 : memref<128x128xf32, #tpu.memory_space<vmem>>) offsets(%dma_start3A_9 : memref<128xi32, #tpu.memory_space<vmem>>) semaphore(%dma_start3A_14 : memref<!tpu.dma_semaphore, #tpu.memory_space<semaphore_mem>>)
    %dma_start3A_15 = arith.constant 1 : i32
    %dma_start3A_16 = arith.constant 1 : i32
    %dma_start3A_17 = arith.constant 0 : i32
    %dma_start3A_18 = arith.constant 0 : i32
    %dma_start3A_19 = tpu.memref_slice %arg6[%dma_start3A_15, %dma_start3A_17, %dma_start3A_18] : memref<2x128x128xf32, #tpu.memory_space<vmem>> -> memref<1x128x128xf32, #tpu.memory_space<vmem>>
    %dma_start3A_20 = tpu.memref_squeeze %dma_start3A_19 : memref<1x128x128xf32, #tpu.memory_space<vmem>> -> memref<128x128xf32, #tpu.memory_space<vmem>>
    %dma_start3A_21 = arith.constant 128 : i32
    %dma_start3A_22 = tpu.memref_slice %arg5[%dma_start3A_21] : memref<25600xi32, #tpu.memory_space<vmem>> -> memref<128xi32, #tpu.memory_space<vmem>>
    %dma_start3A_23 = arith.constant 0 : i32
    %dma_start3A_24 = arith.constant 0 : i32
    %dma_start3A_25 = tpu.memref_slice %arg2[%dma_start3A_23, %dma_start3A_24] : memref<1000000x128xf32, #tpu.memory_space<hbm>> -> memref<1000000x128xf32, #tpu.memory_space<hbm>>
    %dma_start3A_26 = tpu.memref_slice %arg8[%dma_start3A_16] : memref<2x!tpu.dma_semaphore, #tpu.memory_space<semaphore_mem>> -> memref<1x!tpu.dma_semaphore, #tpu.memory_space<semaphore_mem>>
    %dma_start3A_27 = tpu.memref_squeeze %dma_start3A_26 : memref<1x!tpu.dma_semaphore, #tpu.memory_space<semaphore_mem>> -> memref<!tpu.dma_semaphore, #tpu.memory_space<semaphore_mem>>
    tpu.enqueue_indirect_dma source(%dma_start3A_25 : memref<1000000x128xf32, #tpu.memory_space<hbm>>) target(%dma_start3A_20 : memref<128x128xf32, #tpu.memory_space<vmem>>) offsets(%dma_start3A_22 : memref<128xi32, #tpu.memory_space<vmem>>) semaphore(%dma_start3A_27 : memref<!tpu.dma_semaphore, #tpu.memory_space<semaphore_mem>>)
    %dma_wait3A = arith.constant 0 : i32
    %dma_wait3A_28 = arith.constant 0 : i32
    %dma_wait3A_29 = arith.constant 0 : i32
    %dma_wait3A_30 = arith.constant 0 : i32
    %dma_wait3A_31 = tpu.memref_slice %arg6[%dma_wait3A, %dma_wait3A_29, %dma_wait3A_30] : memref<2x128x128xf32, #tpu.memory_space<vmem>> -> memref<1x128x128xf32, #tpu.memory_space<vmem>>
    %dma_wait3A_32 = tpu.memref_squeeze %dma_wait3A_31 : memref<1x128x128xf32, #tpu.memory_space<vmem>> -> memref<128x128xf32, #tpu.memory_space<vmem>>
    %dma_wait3A_33 = arith.constant 0 : i32
    %dma_wait3A_34 = arith.constant 0 : i32
    %dma_wait3A_35 = tpu.memref_slice %arg2[%dma_wait3A_33, %dma_wait3A_34] : memref<1000000x128xf32, #tpu.memory_space<hbm>> -> memref<128x128xf32, #tpu.memory_space<hbm>>
    %dma_wait3A_36 = tpu.memref_slice %arg8[%dma_wait3A_28] : memref<2x!tpu.dma_semaphore, #tpu.memory_space<semaphore_mem>> -> memref<1x!tpu.dma_semaphore, #tpu.memory_space<semaphore_mem>>
    %dma_wait3A_37 = tpu.memref_squeeze %dma_wait3A_36 : memref<1x!tpu.dma_semaphore, #tpu.memory_space<semaphore_mem>> -> memref<!tpu.dma_semaphore, #tpu.memory_space<semaphore_mem>>
    %dma_wait3A_38 = arith.constant 0 : i32
    %dma_wait3A_39 = arith.constant 0 : i32
    %dma_wait3A_40 = tpu.memref_slice %arg6[%dma_wait3A, %dma_wait3A_38, %dma_wait3A_39] : memref<2x128x128xf32, #tpu.memory_space<vmem>> -> memref<1x128x128xf32, #tpu.memory_space<vmem>>
    %dma_wait3A_41 = tpu.memref_squeeze %dma_wait3A_40 : memref<1x128x128xf32, #tpu.memory_space<vmem>> -> memref<128x128xf32, #tpu.memory_space<vmem>>
    %dma_wait3A_42 = arith.constant 0 : i32
    %dma_wait3A_43 = arith.constant 0 : i32
    %dma_wait3A_44 = tpu.memref_slice %arg2[%dma_wait3A_42, %dma_wait3A_43] : memref<1000000x128xf32, #tpu.memory_space<hbm>> -> memref<128x128xf32, #tpu.memory_space<hbm>>
    tpu.wait_dma2 semaphore(%dma_wait3A_37 : memref<!tpu.dma_semaphore, #tpu.memory_space<semaphore_mem>>) src(%dma_wait3A_44 : memref<128x128xf32, #tpu.memory_space<hbm>>) dst(%dma_wait3A_41 : memref<128x128xf32, #tpu.memory_space<vmem>>)
    %parallel_loop3A = arith.constant 0 : i32
    %parallel_loop3A_45 = arith.constant 128 : i32
    %parallel_loop3A_46 = arith.constant 1 : i32
    %parallel_loop3A_47 = arith.constant 0 : i32
    %parallel_loop3A_48 = arith.constant 0 : i32
    scf.for %parallel_loop3A_293 = %parallel_loop3A to %parallel_loop3A_45 step %parallel_loop3A_46  : i32 {
      %parallel_loop3A_294 = arith.constant 0 : i32
      %parallel_loop3A_295 = arith.constant 0 : i32
      %parallel_loop3A_296 = tpu.memref_slice %arg6[%parallel_loop3A_47, %parallel_loop3A_294, %parallel_loop3A_295] : memref<2x128x128xf32, #tpu.memory_space<vmem>> -> memref<1x128x128xf32, #tpu.memory_space<vmem>>
      %parallel_loop3A_297 = tpu.memref_squeeze %parallel_loop3A_296 : memref<1x128x128xf32, #tpu.memory_space<vmem>> -> memref<128x128xf32, #tpu.memory_space<vmem>>
      %parallel_loop3A_298 = arith.index_cast %parallel_loop3A_293 : i32 to index
      %parallel_loop3A_299 = arith.constant 0 : index
      %parallel_loop3A_300 = tpu.vector_load %parallel_loop3A_297[%parallel_loop3A_298, %parallel_loop3A_299] {strides = array<i32>} : memref<128x128xf32, #tpu.memory_space<vmem>>, vector<16xf32>,
      %parallel_loop3A_301 = arith.constant 8.000000e+00 : f32
      %parallel_loop3A_302 = vector.broadcast %parallel_loop3A_301 : f32 to vector<16xf32>
      %parallel_loop3A_303 = arith.mulf %parallel_loop3A_300, %parallel_loop3A_302 : vector<16xf32>
      %parallel_loop3A_304 = arith.constant 0 : i32
      %parallel_loop3A_305 = arith.constant 0 : i32
      %parallel_loop3A_306 = tpu.memref_slice %arg7[%parallel_loop3A_48, %parallel_loop3A_304, %parallel_loop3A_305] : memref<2x128x64xf32, #tpu.memory_space<vmem>> -> memref<1x128x64xf32, #tpu.memory_space<vmem>>
      %parallel_loop3A_307 = tpu.memref_squeeze %parallel_loop3A_306 : memref<1x128x64xf32, #tpu.memory_space<vmem>> -> memref<128x64xf32, #tpu.memory_space<vmem>>
      %parallel_loop3A_308 = arith.index_cast %parallel_loop3A_293 : i32 to index
      %parallel_loop3A_309 = arith.constant 0 : index
      %parallel_loop3A_310 = tpu.vector_load %parallel_loop3A_307[%parallel_loop3A_308, %parallel_loop3A_309] {strides = array<i32>} : memref<128x64xf32, #tpu.memory_space<vmem>>, vector<16xf32>,
      tpu.vector_store %parallel_loop3A_307[%parallel_loop3A_308, %parallel_loop3A_309], %parallel_loop3A_303 {strides = array<i32>} : memref<128x64xf32, #tpu.memory_space<vmem>>, vector<16xf32>,
      %parallel_loop3A_311 = arith.constant 0 : i32
      %parallel_loop3A_312 = arith.constant 0 : i32
      %parallel_loop3A_313 = tpu.memref_slice %arg6[%parallel_loop3A_47, %parallel_loop3A_311, %parallel_loop3A_312] : memref<2x128x128xf32, #tpu.memory_space<vmem>> -> memref<1x128x128xf32, #tpu.memory_space<vmem>>
      %parallel_loop3A_314 = tpu.memref_squeeze %parallel_loop3A_313 : memref<1x128x128xf32, #tpu.memory_space<vmem>> -> memref<128x128xf32, #tpu.memory_space<vmem>>
      %parallel_loop3A_315 = arith.index_cast %parallel_loop3A_293 : i32 to index
      %parallel_loop3A_316 = arith.constant 16 : index
      %parallel_loop3A_317 = tpu.vector_load %parallel_loop3A_314[%parallel_loop3A_315, %parallel_loop3A_316] {strides = array<i32>} : memref<128x128xf32, #tpu.memory_space<vmem>>, vector<16xf32>,
      %parallel_loop3A_318 = arith.constant 8.000000e+00 : f32
      %parallel_loop3A_319 = vector.broadcast %parallel_loop3A_318 : f32 to vector<16xf32>
      %parallel_loop3A_320 = arith.mulf %parallel_loop3A_317, %parallel_loop3A_319 : vector<16xf32>
      %parallel_loop3A_321 = arith.constant 0 : i32
      %parallel_loop3A_322 = arith.constant 0 : i32
      %parallel_loop3A_323 = tpu.memref_slice %arg7[%parallel_loop3A_48, %parallel_loop3A_321, %parallel_loop3A_322] : memref<2x128x64xf32, #tpu.memory_space<vmem>> -> memref<1x128x64xf32, #tpu.memory_space<vmem>>
      %parallel_loop3A_324 = tpu.memref_squeeze %parallel_loop3A_323 : memref<1x128x64xf32, #tpu.memory_space<vmem>> -> memref<128x64xf32, #tpu.memory_space<vmem>>
      %parallel_loop3A_325 = arith.index_cast %parallel_loop3A_293 : i32 to index
      %parallel_loop3A_326 = arith.constant 16 : index
      %parallel_loop3A_327 = tpu.vector_load %parallel_loop3A_324[%parallel_loop3A_325, %parallel_loop3A_326] {strides = array<i32>} : memref<128x64xf32, #tpu.memory_space<vmem>>, vector<16xf32>,
      tpu.vector_store %parallel_loop3A_324[%parallel_loop3A_325, %parallel_loop3A_326], %parallel_loop3A_320 {strides = array<i32>} : memref<128x64xf32, #tpu.memory_space<vmem>>, vector<16xf32>,
      %parallel_loop3A_328 = arith.constant 0 : i32
      %parallel_loop3A_329 = arith.constant 0 : i32
      %parallel_loop3A_330 = tpu.memref_slice %arg6[%parallel_loop3A_47, %parallel_loop3A_328, %parallel_loop3A_329] : memref<2x128x128xf32, #tpu.memory_space<vmem>> -> memref<1x128x128xf32, #tpu.memory_space<vmem>>
      %parallel_loop3A_331 = tpu.memref_squeeze %parallel_loop3A_330 : memref<1x128x128xf32, #tpu.memory_space<vmem>> -> memref<128x128xf32, #tpu.memory_space<vmem>>
      %parallel_loop3A_332 = arith.index_cast %parallel_loop3A_293 : i32 to index
      %parallel_loop3A_333 = arith.constant 32 : index
      %parallel_loop3A_334 = tpu.vector_load %parallel_loop3A_331[%parallel_loop3A_332, %parallel_loop3A_333] {strides = array<i32>} : memref<128x128xf32, #tpu.memory_space<vmem>>, vector<16xf32>,
      %parallel_loop3A_335 = arith.constant 8.000000e+00 : f32
      %parallel_loop3A_336 = vector.broadcast %parallel_loop3A_335 : f32 to vector<16xf32>
      %parallel_loop3A_337 = arith.mulf %parallel_loop3A_334, %parallel_loop3A_336 : vector<16xf32>
      %parallel_loop3A_338 = arith.constant 0 : i32
      %parallel_loop3A_339 = arith.constant 0 : i32
      %parallel_loop3A_340 = tpu.memref_slice %arg7[%parallel_loop3A_48, %parallel_loop3A_338, %parallel_loop3A_339] : memref<2x128x64xf32, #tpu.memory_space<vmem>> -> memref<1x128x64xf32, #tpu.memory_space<vmem>>
      %parallel_loop3A_341 = tpu.memref_squeeze %parallel_loop3A_340 : memref<1x128x64xf32, #tpu.memory_space<vmem>> -> memref<128x64xf32, #tpu.memory_space<vmem>>
      %parallel_loop3A_342 = arith.index_cast %parallel_loop3A_293 : i32 to index
      %parallel_loop3A_343 = arith.constant 32 : index
      %parallel_loop3A_344 = tpu.vector_load %parallel_loop3A_341[%parallel_loop3A_342, %parallel_loop3A_343] {strides = array<i32>} : memref<128x64xf32, #tpu.memory_space<vmem>>, vector<16xf32>,
      tpu.vector_store %parallel_loop3A_341[%parallel_loop3A_342, %parallel_loop3A_343], %parallel_loop3A_337 {strides = array<i32>} : memref<128x64xf32, #tpu.memory_space<vmem>>, vector<16xf32>,
      %parallel_loop3A_345 = arith.constant 0 : i32
      %parallel_loop3A_346 = arith.constant 0 : i32
      %parallel_loop3A_347 = tpu.memref_slice %arg6[%parallel_loop3A_47, %parallel_loop3A_345, %parallel_loop3A_346] : memref<2x128x128xf32, #tpu.memory_space<vmem>> -> memref<1x128x128xf32, #tpu.memory_space<vmem>>
      %parallel_loop3A_348 = tpu.memref_squeeze %parallel_loop3A_347 : memref<1x128x128xf32, #tpu.memory_space<vmem>> -> memref<128x128xf32, #tpu.memory_space<vmem>>
      %parallel_loop3A_349 = arith.index_cast %parallel_loop3A_293 : i32 to index
      %parallel_loop3A_350 = arith.constant 48 : index
      %parallel_loop3A_351 = tpu.vector_load %parallel_loop3A_348[%parallel_loop3A_349, %parallel_loop3A_350] {strides = array<i32>} : memref<128x128xf32, #tpu.memory_space<vmem>>, vector<16xf32>,
      %parallel_loop3A_352 = arith.constant 8.000000e+00 : f32
      %parallel_loop3A_353 = vector.broadcast %parallel_loop3A_352 : f32 to vector<16xf32>
      %parallel_loop3A_354 = arith.mulf %parallel_loop3A_351, %parallel_loop3A_353 : vector<16xf32>
      %parallel_loop3A_355 = arith.constant 0 : i32
      %parallel_loop3A_356 = arith.constant 0 : i32
      %parallel_loop3A_357 = tpu.memref_slice %arg7[%parallel_loop3A_48, %parallel_loop3A_355, %parallel_loop3A_356] : memref<2x128x64xf32, #tpu.memory_space<vmem>> -> memref<1x128x64xf32, #tpu.memory_space<vmem>>
      %parallel_loop3A_358 = tpu.memref_squeeze %parallel_loop3A_357 : memref<1x128x64xf32, #tpu.memory_space<vmem>> -> memref<128x64xf32, #tpu.memory_space<vmem>>
      %parallel_loop3A_359 = arith.index_cast %parallel_loop3A_293 : i32 to index
      %parallel_loop3A_360 = arith.constant 48 : index
      %parallel_loop3A_361 = tpu.vector_load %parallel_loop3A_358[%parallel_loop3A_359, %parallel_loop3A_360] {strides = array<i32>} : memref<128x64xf32, #tpu.memory_space<vmem>>, vector<16xf32>,
      tpu.vector_store %parallel_loop3A_358[%parallel_loop3A_359, %parallel_loop3A_360], %parallel_loop3A_354 {strides = array<i32>} : memref<128x64xf32, #tpu.memory_space<vmem>>, vector<16xf32>,
    } {sc.loop_unroll_factor = 4 : i64, sc.parallel_access}
    %dma_start3A_49 = arith.constant 0 : i32
    %dma_start3A_50 = arith.constant 0 : i32
    %dma_start3A_51 = arith.constant 0 : i32
    %dma_start3A_52 = arith.constant 0 : i32
    %dma_start3A_53 = tpu.memref_slice %arg6[%dma_start3A_49, %dma_start3A_51, %dma_start3A_52] : memref<2x128x128xf32, #tpu.memory_space<vmem>> -> memref<1x128x128xf32, #tpu.memory_space<vmem>>
    %dma_start3A_54 = tpu.memref_squeeze %dma_start3A_53 : memref<1x128x128xf32, #tpu.memory_space<vmem>> -> memref<128x128xf32, #tpu.memory_space<vmem>>
    %dma_start3A_55 = arith.constant 256 : i32
    %dma_start3A_56 = tpu.memref_slice %arg5[%dma_start3A_55] : memref<25600xi32, #tpu.memory_space<vmem>> -> memref<128xi32, #tpu.memory_space<vmem>>
    %dma_start3A_57 = arith.constant 0 : i32
    %dma_start3A_58 = arith.constant 0 : i32
    %dma_start3A_59 = tpu.memref_slice %arg2[%dma_start3A_57, %dma_start3A_58] : memref<1000000x128xf32, #tpu.memory_space<hbm>> -> memref<1000000x128xf32, #tpu.memory_space<hbm>>
    %dma_start3A_60 = tpu.memref_slice %arg8[%dma_start3A_50] : memref<2x!tpu.dma_semaphore, #tpu.memory_space<semaphore_mem>> -> memref<1x!tpu.dma_semaphore, #tpu.memory_space<semaphore_mem>>
    %dma_start3A_61 = tpu.memref_squeeze %dma_start3A_60 : memref<1x!tpu.dma_semaphore, #tpu.memory_space<semaphore_mem>> -> memref<!tpu.dma_semaphore, #tpu.memory_space<semaphore_mem>>
    tpu.enqueue_indirect_dma source(%dma_start3A_59 : memref<1000000x128xf32, #tpu.memory_space<hbm>>) target(%dma_start3A_54 : memref<128x128xf32, #tpu.memory_space<vmem>>) offsets(%dma_start3A_56 : memref<128xi32, #tpu.memory_space<vmem>>) semaphore(%dma_start3A_61 : memref<!tpu.dma_semaphore, #tpu.memory_space<semaphore_mem>>)
    %add3A_62 = arith.constant 0 : i32
    %add3A_63 = arith.addi %mul3A_2, %add3A_62 : i32
    %dma_start3A_64 = arith.constant 0 : i32
    %dma_start3A_65 = arith.constant 0 : i32
    %dma_start3A_66 = arith.constant 0 : i32
    %dma_start3A_67 = arith.constant 0 : i32
    %dma_start3A_68 = tpu.memref_slice %arg7[%dma_start3A_64, %dma_start3A_66, %dma_start3A_67] : memref<2x128x64xf32, #tpu.memory_space<vmem>> -> memref<1x128x64xf32, #tpu.memory_space<vmem>>
    %dma_start3A_69 = tpu.memref_squeeze %dma_start3A_68 : memref<1x128x64xf32, #tpu.memory_space<vmem>> -> memref<128x64xf32, #tpu.memory_space<vmem>>
    %dma_start3A_70 = arith.constant 0 : i32
    %dma_start3A_71 = tpu.memref_slice %arg4[%add3A_63, %dma_start3A_70] : memref<819200x64xf32, #tpu.memory_space<hbm>> -> memref<128x64xf32, #tpu.memory_space<hbm>>
    %dma_start3A_72 = tpu.memref_slice %arg9[%dma_start3A_65] : memref<2x!tpu.dma_semaphore, #tpu.memory_space<semaphore_mem>> -> memref<1x!tpu.dma_semaphore, #tpu.memory_space<semaphore_mem>>
    %dma_start3A_73 = tpu.memref_squeeze %dma_start3A_72 : memref<1x!tpu.dma_semaphore, #tpu.memory_space<semaphore_mem>> -> memref<!tpu.dma_semaphore, #tpu.memory_space<semaphore_mem>>
    %dma_start3A_74 = arith.constant 0 : i32
    %dma_start3A_75 = tpu.memref_slice %arg4[%add3A_63, %dma_start3A_74] : memref<819200x64xf32, #tpu.memory_space<hbm>> -> memref<128x64xf32, #tpu.memory_space<hbm>>
    %dma_start3A_76 = arith.constant 0 : i32
    %dma_start3A_77 = arith.constant 0 : i32
    %dma_start3A_78 = tpu.memref_slice %arg7[%dma_start3A_64, %dma_start3A_76, %dma_start3A_77] : memref<2x128x64xf32, #tpu.memory_space<vmem>> -> memref<1x128x64xf32, #tpu.memory_space<vmem>>
    %dma_start3A_79 = tpu.memref_squeeze %dma_start3A_78 : memref<1x128x64xf32, #tpu.memory_space<vmem>> -> memref<128x64xf32, #tpu.memory_space<vmem>>
    tpu.enqueue_dma source(%dma_start3A_79 : memref<128x64xf32, #tpu.memory_space<vmem>>) target(%dma_start3A_75 : memref<128x64xf32, #tpu.memory_space<hbm>>) target_semaphore(%dma_start3A_73 : memref<!tpu.dma_semaphore, #tpu.memory_space<semaphore_mem>>)
    %dma_wait3A_80 = arith.constant 1 : i32
    %dma_wait3A_81 = arith.constant 1 : i32
    %dma_wait3A_82 = arith.constant 0 : i32
    %dma_wait3A_83 = arith.constant 0 : i32
    %dma_wait3A_84 = tpu.memref_slice %arg6[%dma_wait3A_80, %dma_wait3A_82, %dma_wait3A_83] : memref<2x128x128xf32, #tpu.memory_space<vmem>> -> memref<1x128x128xf32, #tpu.memory_space<vmem>>
    %dma_wait3A_85 = tpu.memref_squeeze %dma_wait3A_84 : memref<1x128x128xf32, #tpu.memory_space<vmem>> -> memref<128x128xf32, #tpu.memory_space<vmem>>
    %dma_wait3A_86 = arith.constant 0 : i32
    %dma_wait3A_87 = arith.constant 0 : i32
    %dma_wait3A_88 = tpu.memref_slice %arg2[%dma_wait3A_86, %dma_wait3A_87] : memref<1000000x128xf32, #tpu.memory_space<hbm>> -> memref<128x128xf32, #tpu.memory_space<hbm>>
    %dma_wait3A_89 = tpu.memref_slice %arg8[%dma_wait3A_81] : memref<2x!tpu.dma_semaphore, #tpu.memory_space<semaphore_mem>> -> memref<1x!tpu.dma_semaphore, #tpu.memory_space<semaphore_mem>>
    %dma_wait3A_90 = tpu.memref_squeeze %dma_wait3A_89 : memref<1x!tpu.dma_semaphore, #tpu.memory_space<semaphore_mem>> -> memref<!tpu.dma_semaphore, #tpu.memory_space<semaphore_mem>>
    %dma_wait3A_91 = arith.constant 0 : i32
    %dma_wait3A_92 = arith.constant 0 : i32
    %dma_wait3A_93 = tpu.memref_slice %arg6[%dma_wait3A_80, %dma_wait3A_91, %dma_wait3A_92] : memref<2x128x128xf32, #tpu.memory_space<vmem>> -> memref<1x128x128xf32, #tpu.memory_space<vmem>>
    %dma_wait3A_94 = tpu.memref_squeeze %dma_wait3A_93 : memref<1x128x128xf32, #tpu.memory_space<vmem>> -> memref<128x128xf32, #tpu.memory_space<vmem>>
    %dma_wait3A_95 = arith.constant 0 : i32
    %dma_wait3A_96 = arith.constant 0 : i32
    %dma_wait3A_97 = tpu.memref_slice %arg2[%dma_wait3A_95, %dma_wait3A_96] : memref<1000000x128xf32, #tpu.memory_space<hbm>> -> memref<128x128xf32, #tpu.memory_space<hbm>>
    tpu.wait_dma2 semaphore(%dma_wait3A_90 : memref<!tpu.dma_semaphore, #tpu.memory_space<semaphore_mem>>) src(%dma_wait3A_97 : memref<128x128xf32, #tpu.memory_space<hbm>>) dst(%dma_wait3A_94 : memref<128x128xf32, #tpu.memory_space<vmem>>)
    %parallel_loop3A_98 = arith.constant 0 : i32
    %parallel_loop3A_99 = arith.constant 128 : i32
    %parallel_loop3A_100 = arith.constant 1 : i32
    %parallel_loop3A_101 = arith.constant 1 : i32
    %parallel_loop3A_102 = arith.constant 1 : i32
    scf.for %parallel_loop3A_293 = %parallel_loop3A_98 to %parallel_loop3A_99 step %parallel_loop3A_100  : i32 {
      %parallel_loop3A_294 = arith.constant 0 : i32
      %parallel_loop3A_295 = arith.constant 0 : i32
      %parallel_loop3A_296 = tpu.memref_slice %arg6[%parallel_loop3A_101, %parallel_loop3A_294, %parallel_loop3A_295] : memref<2x128x128xf32, #tpu.memory_space<vmem>> -> memref<1x128x128xf32, #tpu.memory_space<vmem>>
      %parallel_loop3A_297 = tpu.memref_squeeze %parallel_loop3A_296 : memref<1x128x128xf32, #tpu.memory_space<vmem>> -> memref<128x128xf32, #tpu.memory_space<vmem>>
      %parallel_loop3A_298 = arith.index_cast %parallel_loop3A_293 : i32 to index
      %parallel_loop3A_299 = arith.constant 0 : index
      %parallel_loop3A_300 = tpu.vector_load %parallel_loop3A_297[%parallel_loop3A_298, %parallel_loop3A_299] {strides = array<i32>} : memref<128x128xf32, #tpu.memory_space<vmem>>, vector<16xf32>,
      %parallel_loop3A_301 = arith.constant 8.000000e+00 : f32
      %parallel_loop3A_302 = vector.broadcast %parallel_loop3A_301 : f32 to vector<16xf32>
      %parallel_loop3A_303 = arith.mulf %parallel_loop3A_300, %parallel_loop3A_302 : vector<16xf32>
      %parallel_loop3A_304 = arith.constant 0 : i32
      %parallel_loop3A_305 = arith.constant 0 : i32
      %parallel_loop3A_306 = tpu.memref_slice %arg7[%parallel_loop3A_102, %parallel_loop3A_304, %parallel_loop3A_305] : memref<2x128x64xf32, #tpu.memory_space<vmem>> -> memref<1x128x64xf32, #tpu.memory_space<vmem>>
      %parallel_loop3A_307 = tpu.memref_squeeze %parallel_loop3A_306 : memref<1x128x64xf32, #tpu.memory_space<vmem>> -> memref<128x64xf32, #tpu.memory_space<vmem>>
      %parallel_loop3A_308 = arith.index_cast %parallel_loop3A_293 : i32 to index
      %parallel_loop3A_309 = arith.constant 0 : index
      %parallel_loop3A_310 = tpu.vector_load %parallel_loop3A_307[%parallel_loop3A_308, %parallel_loop3A_309] {strides = array<i32>} : memref<128x64xf32, #tpu.memory_space<vmem>>, vector<16xf32>,
      tpu.vector_store %parallel_loop3A_307[%parallel_loop3A_308, %parallel_loop3A_309], %parallel_loop3A_303 {strides = array<i32>} : memref<128x64xf32, #tpu.memory_space<vmem>>, vector<16xf32>,
      %parallel_loop3A_311 = arith.constant 0 : i32
      %parallel_loop3A_312 = arith.constant 0 : i32
      %parallel_loop3A_313 = tpu.memref_slice %arg6[%parallel_loop3A_101, %parallel_loop3A_311, %parallel_loop3A_312] : memref<2x128x128xf32, #tpu.memory_space<vmem>> -> memref<1x128x128xf32, #tpu.memory_space<vmem>>
      %parallel_loop3A_314 = tpu.memref_squeeze %parallel_loop3A_313 : memref<1x128x128xf32, #tpu.memory_space<vmem>> -> memref<128x128xf32, #tpu.memory_space<vmem>>
      %parallel_loop3A_315 = arith.index_cast %parallel_loop3A_293 : i32 to index
      %parallel_loop3A_316 = arith.constant 16 : index
      %parallel_loop3A_317 = tpu.vector_load %parallel_loop3A_314[%parallel_loop3A_315, %parallel_loop3A_316] {strides = array<i32>} : memref<128x128xf32, #tpu.memory_space<vmem>>, vector<16xf32>,
      %parallel_loop3A_318 = arith.constant 8.000000e+00 : f32
      %parallel_loop3A_319 = vector.broadcast %parallel_loop3A_318 : f32 to vector<16xf32>
      %parallel_loop3A_320 = arith.mulf %parallel_loop3A_317, %parallel_loop3A_319 : vector<16xf32>
      %parallel_loop3A_321 = arith.constant 0 : i32
      %parallel_loop3A_322 = arith.constant 0 : i32
      %parallel_loop3A_323 = tpu.memref_slice %arg7[%parallel_loop3A_102, %parallel_loop3A_321, %parallel_loop3A_322] : memref<2x128x64xf32, #tpu.memory_space<vmem>> -> memref<1x128x64xf32, #tpu.memory_space<vmem>>
      %parallel_loop3A_324 = tpu.memref_squeeze %parallel_loop3A_323 : memref<1x128x64xf32, #tpu.memory_space<vmem>> -> memref<128x64xf32, #tpu.memory_space<vmem>>
      %parallel_loop3A_325 = arith.index_cast %parallel_loop3A_293 : i32 to index
      %parallel_loop3A_326 = arith.constant 16 : index
      %parallel_loop3A_327 = tpu.vector_load %parallel_loop3A_324[%parallel_loop3A_325, %parallel_loop3A_326] {strides = array<i32>} : memref<128x64xf32, #tpu.memory_space<vmem>>, vector<16xf32>,
      tpu.vector_store %parallel_loop3A_324[%parallel_loop3A_325, %parallel_loop3A_326], %parallel_loop3A_320 {strides = array<i32>} : memref<128x64xf32, #tpu.memory_space<vmem>>, vector<16xf32>,
      %parallel_loop3A_328 = arith.constant 0 : i32
      %parallel_loop3A_329 = arith.constant 0 : i32
      %parallel_loop3A_330 = tpu.memref_slice %arg6[%parallel_loop3A_101, %parallel_loop3A_328, %parallel_loop3A_329] : memref<2x128x128xf32, #tpu.memory_space<vmem>> -> memref<1x128x128xf32, #tpu.memory_space<vmem>>
      %parallel_loop3A_331 = tpu.memref_squeeze %parallel_loop3A_330 : memref<1x128x128xf32, #tpu.memory_space<vmem>> -> memref<128x128xf32, #tpu.memory_space<vmem>>
      %parallel_loop3A_332 = arith.index_cast %parallel_loop3A_293 : i32 to index
      %parallel_loop3A_333 = arith.constant 32 : index
      %parallel_loop3A_334 = tpu.vector_load %parallel_loop3A_331[%parallel_loop3A_332, %parallel_loop3A_333] {strides = array<i32>} : memref<128x128xf32, #tpu.memory_space<vmem>>, vector<16xf32>,
      %parallel_loop3A_335 = arith.constant 8.000000e+00 : f32
      %parallel_loop3A_336 = vector.broadcast %parallel_loop3A_335 : f32 to vector<16xf32>
      %parallel_loop3A_337 = arith.mulf %parallel_loop3A_334, %parallel_loop3A_336 : vector<16xf32>
      %parallel_loop3A_338 = arith.constant 0 : i32
      %parallel_loop3A_339 = arith.constant 0 : i32
      %parallel_loop3A_340 = tpu.memref_slice %arg7[%parallel_loop3A_102, %parallel_loop3A_338, %parallel_loop3A_339] : memref<2x128x64xf32, #tpu.memory_space<vmem>> -> memref<1x128x64xf32, #tpu.memory_space<vmem>>
      %parallel_loop3A_341 = tpu.memref_squeeze %parallel_loop3A_340 : memref<1x128x64xf32, #tpu.memory_space<vmem>> -> memref<128x64xf32, #tpu.memory_space<vmem>>
      %parallel_loop3A_342 = arith.index_cast %parallel_loop3A_293 : i32 to index
      %parallel_loop3A_343 = arith.constant 32 : index
      %parallel_loop3A_344 = tpu.vector_load %parallel_loop3A_341[%parallel_loop3A_342, %parallel_loop3A_343] {strides = array<i32>} : memref<128x64xf32, #tpu.memory_space<vmem>>, vector<16xf32>,
      tpu.vector_store %parallel_loop3A_341[%parallel_loop3A_342, %parallel_loop3A_343], %parallel_loop3A_337 {strides = array<i32>} : memref<128x64xf32, #tpu.memory_space<vmem>>, vector<16xf32>,
      %parallel_loop3A_345 = arith.constant 0 : i32
      %parallel_loop3A_346 = arith.constant 0 : i32
      %parallel_loop3A_347 = tpu.memref_slice %arg6[%parallel_loop3A_101, %parallel_loop3A_345, %parallel_loop3A_346] : memref<2x128x128xf32, #tpu.memory_space<vmem>> -> memref<1x128x128xf32, #tpu.memory_space<vmem>>
      %parallel_loop3A_348 = tpu.memref_squeeze %parallel_loop3A_347 : memref<1x128x128xf32, #tpu.memory_space<vmem>> -> memref<128x128xf32, #tpu.memory_space<vmem>>
      %parallel_loop3A_349 = arith.index_cast %parallel_loop3A_293 : i32 to index
      %parallel_loop3A_350 = arith.constant 48 : index
      %parallel_loop3A_351 = tpu.vector_load %parallel_loop3A_348[%parallel_loop3A_349, %parallel_loop3A_350] {strides = array<i32>} : memref<128x128xf32, #tpu.memory_space<vmem>>, vector<16xf32>,
      %parallel_loop3A_352 = arith.constant 8.000000e+00 : f32
      %parallel_loop3A_353 = vector.broadcast %parallel_loop3A_352 : f32 to vector<16xf32>
      %parallel_loop3A_354 = arith.mulf %parallel_loop3A_351, %parallel_loop3A_353 : vector<16xf32>
      %parallel_loop3A_355 = arith.constant 0 : i32
      %parallel_loop3A_356 = arith.constant 0 : i32
      %parallel_loop3A_357 = tpu.memref_slice %arg7[%parallel_loop3A_102, %parallel_loop3A_355, %parallel_loop3A_356] : memref<2x128x64xf32, #tpu.memory_space<vmem>> -> memref<1x128x64xf32, #tpu.memory_space<vmem>>
      %parallel_loop3A_358 = tpu.memref_squeeze %parallel_loop3A_357 : memref<1x128x64xf32, #tpu.memory_space<vmem>> -> memref<128x64xf32, #tpu.memory_space<vmem>>
      %parallel_loop3A_359 = arith.index_cast %parallel_loop3A_293 : i32 to index
      %parallel_loop3A_360 = arith.constant 48 : index
      %parallel_loop3A_361 = tpu.vector_load %parallel_loop3A_358[%parallel_loop3A_359, %parallel_loop3A_360] {strides = array<i32>} : memref<128x64xf32, #tpu.memory_space<vmem>>, vector<16xf32>,
      tpu.vector_store %parallel_loop3A_358[%parallel_loop3A_359, %parallel_loop3A_360], %parallel_loop3A_354 {strides = array<i32>} : memref<128x64xf32, #tpu.memory_space<vmem>>, vector<16xf32>,
    } {sc.loop_unroll_factor = 4 : i64, sc.parallel_access}
    %dma_start3A_103 = arith.constant 1 : i32
    %dma_start3A_104 = arith.constant 1 : i32
    %dma_start3A_105 = arith.constant 0 : i32
    %dma_start3A_106 = arith.constant 0 : i32
    %dma_start3A_107 = tpu.memref_slice %arg6[%dma_start3A_103, %dma_start3A_105, %dma_start3A_106] : memref<2x128x128xf32, #tpu.memory_space<vmem>> -> memref<1x128x128xf32, #tpu.memory_space<vmem>>
    %dma_start3A_108 = tpu.memref_squeeze %dma_start3A_107 : memref<1x128x128xf32, #tpu.memory_space<vmem>> -> memref<128x128xf32, #tpu.memory_space<vmem>>
    %dma_start3A_109 = arith.constant 384 : i32
    %dma_start3A_110 = tpu.memref_slice %arg5[%dma_start3A_109] : memref<25600xi32, #tpu.memory_space<vmem>> -> memref<128xi32, #tpu.memory_space<vmem>>
    %dma_start3A_111 = arith.constant 0 : i32
    %dma_start3A_112 = arith.constant 0 : i32
    %dma_start3A_113 = tpu.memref_slice %arg2[%dma_start3A_111, %dma_start3A_112] : memref<1000000x128xf32, #tpu.memory_space<hbm>> -> memref<1000000x128xf32, #tpu.memory_space<hbm>>
    %dma_start3A_114 = tpu.memref_slice %arg8[%dma_start3A_104] : memref<2x!tpu.dma_semaphore, #tpu.memory_space<semaphore_mem>> -> memref<1x!tpu.dma_semaphore, #tpu.memory_space<semaphore_mem>>
    %dma_start3A_115 = tpu.memref_squeeze %dma_start3A_114 : memref<1x!tpu.dma_semaphore, #tpu.memory_space<semaphore_mem>> -> memref<!tpu.dma_semaphore, #tpu.memory_space<semaphore_mem>>
    tpu.enqueue_indirect_dma source(%dma_start3A_113 : memref<1000000x128xf32, #tpu.memory_space<hbm>>) target(%dma_start3A_108 : memref<128x128xf32, #tpu.memory_space<vmem>>) offsets(%dma_start3A_110 : memref<128xi32, #tpu.memory_space<vmem>>) semaphore(%dma_start3A_115 : memref<!tpu.dma_semaphore, #tpu.memory_space<semaphore_mem>>)
    %add3A_116 = arith.constant 128 : i32
    %add3A_117 = arith.addi %mul3A_2, %add3A_116 : i32
    %dma_start3A_118 = arith.constant 1 : i32
    %dma_start3A_119 = arith.constant 1 : i32
    %dma_start3A_120 = arith.constant 0 : i32
    %dma_start3A_121 = arith.constant 0 : i32
    %dma_start3A_122 = tpu.memref_slice %arg7[%dma_start3A_118, %dma_start3A_120, %dma_start3A_121] : memref<2x128x64xf32, #tpu.memory_space<vmem>> -> memref<1x128x64xf32, #tpu.memory_space<vmem>>
    %dma_start3A_123 = tpu.memref_squeeze %dma_start3A_122 : memref<1x128x64xf32, #tpu.memory_space<vmem>> -> memref<128x64xf32, #tpu.memory_space<vmem>>
    %dma_start3A_124 = arith.constant 0 : i32
    %dma_start3A_125 = tpu.memref_slice %arg4[%add3A_117, %dma_start3A_124] : memref<819200x64xf32, #tpu.memory_space<hbm>> -> memref<128x64xf32, #tpu.memory_space<hbm>>
    %dma_start3A_126 = tpu.memref_slice %arg9[%dma_start3A_119] : memref<2x!tpu.dma_semaphore, #tpu.memory_space<semaphore_mem>> -> memref<1x!tpu.dma_semaphore, #tpu.memory_space<semaphore_mem>>
    %dma_start3A_127 = tpu.memref_squeeze %dma_start3A_126 : memref<1x!tpu.dma_semaphore, #tpu.memory_space<semaphore_mem>> -> memref<!tpu.dma_semaphore, #tpu.memory_space<semaphore_mem>>
    %dma_start3A_128 = arith.constant 0 : i32
    %dma_start3A_129 = tpu.memref_slice %arg4[%add3A_117, %dma_start3A_128] : memref<819200x64xf32, #tpu.memory_space<hbm>> -> memref<128x64xf32, #tpu.memory_space<hbm>>
    %dma_start3A_130 = arith.constant 0 : i32
    %dma_start3A_131 = arith.constant 0 : i32
    %dma_start3A_132 = tpu.memref_slice %arg7[%dma_start3A_118, %dma_start3A_130, %dma_start3A_131] : memref<2x128x64xf32, #tpu.memory_space<vmem>> -> memref<1x128x64xf32, #tpu.memory_space<vmem>>
    %dma_start3A_133 = tpu.memref_squeeze %dma_start3A_132 : memref<1x128x64xf32, #tpu.memory_space<vmem>> -> memref<128x64xf32, #tpu.memory_space<vmem>>
    tpu.enqueue_dma source(%dma_start3A_133 : memref<128x64xf32, #tpu.memory_space<vmem>>) target(%dma_start3A_129 : memref<128x64xf32, #tpu.memory_space<hbm>>) target_semaphore(%dma_start3A_127 : memref<!tpu.dma_semaphore, #tpu.memory_space<semaphore_mem>>)
    %scan3A = arith.constant 0 : i32
    %scan3A_134 = arith.constant 1 : i32
    %scan3A_135 = arith.constant 98 : i32
    %scan3A_136 = arith.addi %scan3A_134, %scan3A_135 : i32
    %scan3A_137 = arith.constant 1 : i32
    scf.for %scan3A_293 = %scan3A_134 to %scan3A_136 step %scan3A_137  : i32 {
      %mul3A_294 = arith.constant 2 : i32
      %mul3A_295 = arith.muli %scan3A_293, %mul3A_294 : i32
      %add3A_296 = arith.constant 0 : i32
      %add3A_297 = arith.addi %mul3A_295, %add3A_296 : i32
      %dma_wait3A_298 = arith.constant 0 : i32
      %dma_wait3A_299 = arith.constant 0 : i32
      %dma_wait3A_300 = arith.constant 0 : i32
      %dma_wait3A_301 = arith.constant 0 : i32
      %dma_wait3A_302 = tpu.memref_slice %arg6[%dma_wait3A_298, %dma_wait3A_300, %dma_wait3A_301] : memref<2x128x128xf32, #tpu.memory_space<vmem>> -> memref<1x128x128xf32, #tpu.memory_space<vmem>>
      %dma_wait3A_303 = tpu.memref_squeeze %dma_wait3A_302 : memref<1x128x128xf32, #tpu.memory_space<vmem>> -> memref<128x128xf32, #tpu.memory_space<vmem>>
      %dma_wait3A_304 = arith.constant 0 : i32
      %dma_wait3A_305 = arith.constant 0 : i32
      %dma_wait3A_306 = tpu.memref_slice %arg2[%dma_wait3A_304, %dma_wait3A_305] : memref<1000000x128xf32, #tpu.memory_space<hbm>> -> memref<128x128xf32, #tpu.memory_space<hbm>>
      %dma_wait3A_307 = tpu.memref_slice %arg8[%dma_wait3A_299] : memref<2x!tpu.dma_semaphore, #tpu.memory_space<semaphore_mem>> -> memref<1x!tpu.dma_semaphore, #tpu.memory_space<semaphore_mem>>
      %dma_wait3A_308 = tpu.memref_squeeze %dma_wait3A_307 : memref<1x!tpu.dma_semaphore, #tpu.memory_space<semaphore_mem>> -> memref<!tpu.dma_semaphore, #tpu.memory_space<semaphore_mem>>
      %dma_wait3A_309 = arith.constant 0 : i32
      %dma_wait3A_310 = arith.constant 0 : i32
      %dma_wait3A_311 = tpu.memref_slice %arg6[%dma_wait3A_298, %dma_wait3A_309, %dma_wait3A_310] : memref<2x128x128xf32, #tpu.memory_space<vmem>> -> memref<1x128x128xf32, #tpu.memory_space<vmem>>
      %dma_wait3A_312 = tpu.memref_squeeze %dma_wait3A_311 : memref<1x128x128xf32, #tpu.memory_space<vmem>> -> memref<128x128xf32, #tpu.memory_space<vmem>>
      %dma_wait3A_313 = arith.constant 0 : i32
      %dma_wait3A_314 = arith.constant 0 : i32
      %dma_wait3A_315 = tpu.memref_slice %arg2[%dma_wait3A_313, %dma_wait3A_314] : memref<1000000x128xf32, #tpu.memory_space<hbm>> -> memref<128x128xf32, #tpu.memory_space<hbm>>
      tpu.wait_dma2 semaphore(%dma_wait3A_308 : memref<!tpu.dma_semaphore, #tpu.memory_space<semaphore_mem>>) src(%dma_wait3A_315 : memref<128x128xf32, #tpu.memory_space<hbm>>) dst(%dma_wait3A_312 : memref<128x128xf32, #tpu.memory_space<vmem>>)
      %dma_wait3A_316 = arith.constant 0 : i32
      %dma_wait3A_317 = arith.constant 0 : i32
      %dma_wait3A_318 = arith.constant 0 : i32
      %dma_wait3A_319 = arith.constant 0 : i32
      %dma_wait3A_320 = tpu.memref_slice %arg7[%dma_wait3A_316, %dma_wait3A_318, %dma_wait3A_319] : memref<2x128x64xf32, #tpu.memory_space<vmem>> -> memref<1x128x64xf32, #tpu.memory_space<vmem>>
      %dma_wait3A_321 = tpu.memref_squeeze %dma_wait3A_320 : memref<1x128x64xf32, #tpu.memory_space<vmem>> -> memref<128x64xf32, #tpu.memory_space<vmem>>
      %dma_wait3A_322 = arith.constant 0 : i32
      %dma_wait3A_323 = arith.constant 0 : i32
      %dma_wait3A_324 = tpu.memref_slice %arg4[%dma_wait3A_322, %dma_wait3A_323] : memref<819200x64xf32, #tpu.memory_space<hbm>> -> memref<128x64xf32, #tpu.memory_space<hbm>>
      %dma_wait3A_325 = tpu.memref_slice %arg9[%dma_wait3A_317] : memref<2x!tpu.dma_semaphore, #tpu.memory_space<semaphore_mem>> -> memref<1x!tpu.dma_semaphore, #tpu.memory_space<semaphore_mem>>
      %dma_wait3A_326 = tpu.memref_squeeze %dma_wait3A_325 : memref<1x!tpu.dma_semaphore, #tpu.memory_space<semaphore_mem>> -> memref<!tpu.dma_semaphore, #tpu.memory_space<semaphore_mem>>
      %dma_wait3A_327 = arith.constant 0 : i32
      %dma_wait3A_328 = arith.constant 0 : i32
      %dma_wait3A_329 = tpu.memref_slice %arg4[%dma_wait3A_327, %dma_wait3A_328] : memref<819200x64xf32, #tpu.memory_space<hbm>> -> memref<128x64xf32, #tpu.memory_space<hbm>>
      %dma_wait3A_330 = arith.constant 0 : i32
      %dma_wait3A_331 = arith.constant 0 : i32
      %dma_wait3A_332 = tpu.memref_slice %arg7[%dma_wait3A_316, %dma_wait3A_330, %dma_wait3A_331] : memref<2x128x64xf32, #tpu.memory_space<vmem>> -> memref<1x128x64xf32, #tpu.memory_space<vmem>>
      %dma_wait3A_333 = tpu.memref_squeeze %dma_wait3A_332 : memref<1x128x64xf32, #tpu.memory_space<vmem>> -> memref<128x64xf32, #tpu.memory_space<vmem>>
      tpu.wait_dma2 semaphore(%dma_wait3A_326 : memref<!tpu.dma_semaphore, #tpu.memory_space<semaphore_mem>>) src(%dma_wait3A_333 : memref<128x64xf32, #tpu.memory_space<vmem>>) dst(%dma_wait3A_329 : memref<128x64xf32, #tpu.memory_space<hbm>>)
      %parallel_loop3A_334 = arith.constant 0 : i32
      %parallel_loop3A_335 = arith.constant 128 : i32
      %parallel_loop3A_336 = arith.constant 1 : i32
      %parallel_loop3A_337 = arith.constant 0 : i32
      %parallel_loop3A_338 = arith.constant 0 : i32
      scf.for %parallel_loop3A_454 = %parallel_loop3A_334 to %parallel_loop3A_335 step %parallel_loop3A_336  : i32 {
        %parallel_loop3A_455 = arith.constant 0 : i32
        %parallel_loop3A_456 = arith.constant 0 : i32
        %parallel_loop3A_457 = tpu.memref_slice %arg6[%parallel_loop3A_337, %parallel_loop3A_455, %parallel_loop3A_456] : memref<2x128x128xf32, #tpu.memory_space<vmem>> -> memref<1x128x128xf32, #tpu.memory_space<vmem>>
        %parallel_loop3A_458 = tpu.memref_squeeze %parallel_loop3A_457 : memref<1x128x128xf32, #tpu.memory_space<vmem>> -> memref<128x128xf32, #tpu.memory_space<vmem>>
        %parallel_loop3A_459 = arith.index_cast %parallel_loop3A_454 : i32 to index
        %parallel_loop3A_460 = arith.constant 0 : index
        %parallel_loop3A_461 = tpu.vector_load %parallel_loop3A_458[%parallel_loop3A_459, %parallel_loop3A_460] {strides = array<i32>} : memref<128x128xf32, #tpu.memory_space<vmem>>, vector<16xf32>,
        %parallel_loop3A_462 = arith.constant 8.000000e+00 : f32
        %parallel_loop3A_463 = vector.broadcast %parallel_loop3A_462 : f32 to vector<16xf32>
        %parallel_loop3A_464 = arith.mulf %parallel_loop3A_461, %parallel_loop3A_463 : vector<16xf32>
        %parallel_loop3A_465 = arith.constant 0 : i32
        %parallel_loop3A_466 = arith.constant 0 : i32
        %parallel_loop3A_467 = tpu.memref_slice %arg7[%parallel_loop3A_338, %parallel_loop3A_465, %parallel_loop3A_466] : memref<2x128x64xf32, #tpu.memory_space<vmem>> -> memref<1x128x64xf32, #tpu.memory_space<vmem>>
        %parallel_loop3A_468 = tpu.memref_squeeze %parallel_loop3A_467 : memref<1x128x64xf32, #tpu.memory_space<vmem>> -> memref<128x64xf32, #tpu.memory_space<vmem>>
        %parallel_loop3A_469 = arith.index_cast %parallel_loop3A_454 : i32 to index
        %parallel_loop3A_470 = arith.constant 0 : index
        %parallel_loop3A_471 = tpu.vector_load %parallel_loop3A_468[%parallel_loop3A_469, %parallel_loop3A_470] {strides = array<i32>} : memref<128x64xf32, #tpu.memory_space<vmem>>, vector<16xf32>,
        tpu.vector_store %parallel_loop3A_468[%parallel_loop3A_469, %parallel_loop3A_470], %parallel_loop3A_464 {strides = array<i32>} : memref<128x64xf32, #tpu.memory_space<vmem>>, vector<16xf32>,
        %parallel_loop3A_472 = arith.constant 0 : i32
        %parallel_loop3A_473 = arith.constant 0 : i32
        %parallel_loop3A_474 = tpu.memref_slice %arg6[%parallel_loop3A_337, %parallel_loop3A_472, %parallel_loop3A_473] : memref<2x128x128xf32, #tpu.memory_space<vmem>> -> memref<1x128x128xf32, #tpu.memory_space<vmem>>
        %parallel_loop3A_475 = tpu.memref_squeeze %parallel_loop3A_474 : memref<1x128x128xf32, #tpu.memory_space<vmem>> -> memref<128x128xf32, #tpu.memory_space<vmem>>
        %parallel_loop3A_476 = arith.index_cast %parallel_loop3A_454 : i32 to index
        %parallel_loop3A_477 = arith.constant 16 : index
        %parallel_loop3A_478 = tpu.vector_load %parallel_loop3A_475[%parallel_loop3A_476, %parallel_loop3A_477] {strides = array<i32>} : memref<128x128xf32, #tpu.memory_space<vmem>>, vector<16xf32>,
        %parallel_loop3A_479 = arith.constant 8.000000e+00 : f32
        %parallel_loop3A_480 = vector.broadcast %parallel_loop3A_479 : f32 to vector<16xf32>
        %parallel_loop3A_481 = arith.mulf %parallel_loop3A_478, %parallel_loop3A_480 : vector<16xf32>
        %parallel_loop3A_482 = arith.constant 0 : i32
        %parallel_loop3A_483 = arith.constant 0 : i32
        %parallel_loop3A_484 = tpu.memref_slice %arg7[%parallel_loop3A_338, %parallel_loop3A_482, %parallel_loop3A_483] : memref<2x128x64xf32, #tpu.memory_space<vmem>> -> memref<1x128x64xf32, #tpu.memory_space<vmem>>
        %parallel_loop3A_485 = tpu.memref_squeeze %parallel_loop3A_484 : memref<1x128x64xf32, #tpu.memory_space<vmem>> -> memref<128x64xf32, #tpu.memory_space<vmem>>
        %parallel_loop3A_486 = arith.index_cast %parallel_loop3A_454 : i32 to index
        %parallel_loop3A_487 = arith.constant 16 : index
        %parallel_loop3A_488 = tpu.vector_load %parallel_loop3A_485[%parallel_loop3A_486, %parallel_loop3A_487] {strides = array<i32>} : memref<128x64xf32, #tpu.memory_space<vmem>>, vector<16xf32>,
        tpu.vector_store %parallel_loop3A_485[%parallel_loop3A_486, %parallel_loop3A_487], %parallel_loop3A_481 {strides = array<i32>} : memref<128x64xf32, #tpu.memory_space<vmem>>, vector<16xf32>,
        %parallel_loop3A_489 = arith.constant 0 : i32
        %parallel_loop3A_490 = arith.constant 0 : i32
        %parallel_loop3A_491 = tpu.memref_slice %arg6[%parallel_loop3A_337, %parallel_loop3A_489, %parallel_loop3A_490] : memref<2x128x128xf32, #tpu.memory_space<vmem>> -> memref<1x128x128xf32, #tpu.memory_space<vmem>>
        %parallel_loop3A_492 = tpu.memref_squeeze %parallel_loop3A_491 : memref<1x128x128xf32, #tpu.memory_space<vmem>> -> memref<128x128xf32, #tpu.memory_space<vmem>>
        %parallel_loop3A_493 = arith.index_cast %parallel_loop3A_454 : i32 to index
        %parallel_loop3A_494 = arith.constant 32 : index
        %parallel_loop3A_495 = tpu.vector_load %parallel_loop3A_492[%parallel_loop3A_493, %parallel_loop3A_494] {strides = array<i32>} : memref<128x128xf32, #tpu.memory_space<vmem>>, vector<16xf32>,
        %parallel_loop3A_496 = arith.constant 8.000000e+00 : f32
        %parallel_loop3A_497 = vector.broadcast %parallel_loop3A_496 : f32 to vector<16xf32>
        %parallel_loop3A_498 = arith.mulf %parallel_loop3A_495, %parallel_loop3A_497 : vector<16xf32>
        %parallel_loop3A_499 = arith.constant 0 : i32
        %parallel_loop3A_500 = arith.constant 0 : i32
        %parallel_loop3A_501 = tpu.memref_slice %arg7[%parallel_loop3A_338, %parallel_loop3A_499, %parallel_loop3A_500] : memref<2x128x64xf32, #tpu.memory_space<vmem>> -> memref<1x128x64xf32, #tpu.memory_space<vmem>>
        %parallel_loop3A_502 = tpu.memref_squeeze %parallel_loop3A_501 : memref<1x128x64xf32, #tpu.memory_space<vmem>> -> memref<128x64xf32, #tpu.memory_space<vmem>>
        %parallel_loop3A_503 = arith.index_cast %parallel_loop3A_454 : i32 to index
        %parallel_loop3A_504 = arith.constant 32 : index
        %parallel_loop3A_505 = tpu.vector_load %parallel_loop3A_502[%parallel_loop3A_503, %parallel_loop3A_504] {strides = array<i32>} : memref<128x64xf32, #tpu.memory_space<vmem>>, vector<16xf32>,
        tpu.vector_store %parallel_loop3A_502[%parallel_loop3A_503, %parallel_loop3A_504], %parallel_loop3A_498 {strides = array<i32>} : memref<128x64xf32, #tpu.memory_space<vmem>>, vector<16xf32>,
        %parallel_loop3A_506 = arith.constant 0 : i32
        %parallel_loop3A_507 = arith.constant 0 : i32
        %parallel_loop3A_508 = tpu.memref_slice %arg6[%parallel_loop3A_337, %parallel_loop3A_506, %parallel_loop3A_507] : memref<2x128x128xf32, #tpu.memory_space<vmem>> -> memref<1x128x128xf32, #tpu.memory_space<vmem>>
        %parallel_loop3A_509 = tpu.memref_squeeze %parallel_loop3A_508 : memref<1x128x128xf32, #tpu.memory_space<vmem>> -> memref<128x128xf32, #tpu.memory_space<vmem>>
        %parallel_loop3A_510 = arith.index_cast %parallel_loop3A_454 : i32 to index
        %parallel_loop3A_511 = arith.constant 48 : index
        %parallel_loop3A_512 = tpu.vector_load %parallel_loop3A_509[%parallel_loop3A_510, %parallel_loop3A_511] {strides = array<i32>} : memref<128x128xf32, #tpu.memory_space<vmem>>, vector<16xf32>,
        %parallel_loop3A_513 = arith.constant 8.000000e+00 : f32
        %parallel_loop3A_514 = vector.broadcast %parallel_loop3A_513 : f32 to vector<16xf32>
        %parallel_loop3A_515 = arith.mulf %parallel_loop3A_512, %parallel_loop3A_514 : vector<16xf32>
        %parallel_loop3A_516 = arith.constant 0 : i32
        %parallel_loop3A_517 = arith.constant 0 : i32
        %parallel_loop3A_518 = tpu.memref_slice %arg7[%parallel_loop3A_338, %parallel_loop3A_516, %parallel_loop3A_517] : memref<2x128x64xf32, #tpu.memory_space<vmem>> -> memref<1x128x64xf32, #tpu.memory_space<vmem>>
        %parallel_loop3A_519 = tpu.memref_squeeze %parallel_loop3A_518 : memref<1x128x64xf32, #tpu.memory_space<vmem>> -> memref<128x64xf32, #tpu.memory_space<vmem>>
        %parallel_loop3A_520 = arith.index_cast %parallel_loop3A_454 : i32 to index
        %parallel_loop3A_521 = arith.constant 48 : index
        %parallel_loop3A_522 = tpu.vector_load %parallel_loop3A_519[%parallel_loop3A_520, %parallel_loop3A_521] {strides = array<i32>} : memref<128x64xf32, #tpu.memory_space<vmem>>, vector<16xf32>,
        tpu.vector_store %parallel_loop3A_519[%parallel_loop3A_520, %parallel_loop3A_521], %parallel_loop3A_515 {strides = array<i32>} : memref<128x64xf32, #tpu.memory_space<vmem>>, vector<16xf32>,
      } {sc.loop_unroll_factor = 4 : i64, sc.parallel_access}
      %add3A_339 = arith.constant 2 : i32
      %add3A_340 = arith.addi %add3A_297, %add3A_339 : i32
      %mul3A_341 = arith.constant 128 : i32
      %mul3A_342 = arith.muli %add3A_340, %mul3A_341 : i32
      %dma_start3A_343 = arith.constant 0 : i32
      %dma_start3A_344 = arith.constant 0 : i32
      %dma_start3A_345 = arith.constant 0 : i32
      %dma_start3A_346 = arith.constant 0 : i32
      %dma_start3A_347 = tpu.memref_slice %arg6[%dma_start3A_343, %dma_start3A_345, %dma_start3A_346] : memref<2x128x128xf32, #tpu.memory_space<vmem>> -> memref<1x128x128xf32, #tpu.memory_space<vmem>>
      %dma_start3A_348 = tpu.memref_squeeze %dma_start3A_347 : memref<1x128x128xf32, #tpu.memory_space<vmem>> -> memref<128x128xf32, #tpu.memory_space<vmem>>
      %dma_start3A_349 = tpu.memref_slice %arg5[%mul3A_342] : memref<25600xi32, #tpu.memory_space<vmem>> -> memref<128xi32, #tpu.memory_space<vmem>>
      %dma_start3A_350 = arith.constant 0 : i32
      %dma_start3A_351 = arith.constant 0 : i32
      %dma_start3A_352 = tpu.memref_slice %arg2[%dma_start3A_350, %dma_start3A_351] : memref<1000000x128xf32, #tpu.memory_space<hbm>> -> memref<1000000x128xf32, #tpu.memory_space<hbm>>
      %dma_start3A_353 = tpu.memref_slice %arg8[%dma_start3A_344] : memref<2x!tpu.dma_semaphore, #tpu.memory_space<semaphore_mem>> -> memref<1x!tpu.dma_semaphore, #tpu.memory_space<semaphore_mem>>
      %dma_start3A_354 = tpu.memref_squeeze %dma_start3A_353 : memref<1x!tpu.dma_semaphore, #tpu.memory_space<semaphore_mem>> -> memref<!tpu.dma_semaphore, #tpu.memory_space<semaphore_mem>>
      tpu.enqueue_indirect_dma source(%dma_start3A_352 : memref<1000000x128xf32, #tpu.memory_space<hbm>>) target(%dma_start3A_348 : memref<128x128xf32, #tpu.memory_space<vmem>>) offsets(%dma_start3A_349 : memref<128xi32, #tpu.memory_space<vmem>>) semaphore(%dma_start3A_354 : memref<!tpu.dma_semaphore, #tpu.memory_space<semaphore_mem>>)
      %mul3A_355 = arith.constant 128 : i32
      %mul3A_356 = arith.muli %add3A_297, %mul3A_355 : i32
      %add3A_357 = arith.addi %mul3A_2, %mul3A_356 : i32
      %dma_start3A_358 = arith.constant 0 : i32
      %dma_start3A_359 = arith.constant 0 : i32
      %dma_start3A_360 = arith.constant 0 : i32
      %dma_start3A_361 = arith.constant 0 : i32
      %dma_start3A_362 = tpu.memref_slice %arg7[%dma_start3A_358, %dma_start3A_360, %dma_start3A_361] : memref<2x128x64xf32, #tpu.memory_space<vmem>> -> memref<1x128x64xf32, #tpu.memory_space<vmem>>
      %dma_start3A_363 = tpu.memref_squeeze %dma_start3A_362 : memref<1x128x64xf32, #tpu.memory_space<vmem>> -> memref<128x64xf32, #tpu.memory_space<vmem>>
      %dma_start3A_364 = arith.constant 0 : i32
      %dma_start3A_365 = tpu.memref_slice %arg4[%add3A_357, %dma_start3A_364] : memref<819200x64xf32, #tpu.memory_space<hbm>> -> memref<128x64xf32, #tpu.memory_space<hbm>>
      %dma_start3A_366 = tpu.memref_slice %arg9[%dma_start3A_359] : memref<2x!tpu.dma_semaphore, #tpu.memory_space<semaphore_mem>> -> memref<1x!tpu.dma_semaphore, #tpu.memory_space<semaphore_mem>>
      %dma_start3A_367 = tpu.memref_squeeze %dma_start3A_366 : memref<1x!tpu.dma_semaphore, #tpu.memory_space<semaphore_mem>> -> memref<!tpu.dma_semaphore, #tpu.memory_space<semaphore_mem>>
      %dma_start3A_368 = arith.constant 0 : i32
      %dma_start3A_369 = tpu.memref_slice %arg4[%add3A_357, %dma_start3A_368] : memref<819200x64xf32, #tpu.memory_space<hbm>> -> memref<128x64xf32, #tpu.memory_space<hbm>>
      %dma_start3A_370 = arith.constant 0 : i32
      %dma_start3A_371 = arith.constant 0 : i32
      %dma_start3A_372 = tpu.memref_slice %arg7[%dma_start3A_358, %dma_start3A_370, %dma_start3A_371] : memref<2x128x64xf32, #tpu.memory_space<vmem>> -> memref<1x128x64xf32, #tpu.memory_space<vmem>>
      %dma_start3A_373 = tpu.memref_squeeze %dma_start3A_372 : memref<1x128x64xf32, #tpu.memory_space<vmem>> -> memref<128x64xf32, #tpu.memory_space<vmem>>
      tpu.enqueue_dma source(%dma_start3A_373 : memref<128x64xf32, #tpu.memory_space<vmem>>) target(%dma_start3A_369 : memref<128x64xf32, #tpu.memory_space<hbm>>) target_semaphore(%dma_start3A_367 : memref<!tpu.dma_semaphore, #tpu.memory_space<semaphore_mem>>)
      %mul3A_374 = arith.constant 2 : i32
      %mul3A_375 = arith.muli %scan3A_293, %mul3A_374 : i32
      %add3A_376 = arith.constant 1 : i32
      %add3A_377 = arith.addi %mul3A_375, %add3A_376 : i32
      %dma_wait3A_378 = arith.constant 1 : i32
      %dma_wait3A_379 = arith.constant 1 : i32
      %dma_wait3A_380 = arith.constant 0 : i32
      %dma_wait3A_381 = arith.constant 0 : i32
      %dma_wait3A_382 = tpu.memref_slice %arg6[%dma_wait3A_378, %dma_wait3A_380, %dma_wait3A_381] : memref<2x128x128xf32, #tpu.memory_space<vmem>> -> memref<1x128x128xf32, #tpu.memory_space<vmem>>
      %dma_wait3A_383 = tpu.memref_squeeze %dma_wait3A_382 : memref<1x128x128xf32, #tpu.memory_space<vmem>> -> memref<128x128xf32, #tpu.memory_space<vmem>>
      %dma_wait3A_384 = arith.constant 0 : i32
      %dma_wait3A_385 = arith.constant 0 : i32
      %dma_wait3A_386 = tpu.memref_slice %arg2[%dma_wait3A_384, %dma_wait3A_385] : memref<1000000x128xf32, #tpu.memory_space<hbm>> -> memref<128x128xf32, #tpu.memory_space<hbm>>
      %dma_wait3A_387 = tpu.memref_slice %arg8[%dma_wait3A_379] : memref<2x!tpu.dma_semaphore, #tpu.memory_space<semaphore_mem>> -> memref<1x!tpu.dma_semaphore, #tpu.memory_space<semaphore_mem>>
      %dma_wait3A_388 = tpu.memref_squeeze %dma_wait3A_387 : memref<1x!tpu.dma_semaphore, #tpu.memory_space<semaphore_mem>> -> memref<!tpu.dma_semaphore, #tpu.memory_space<semaphore_mem>>
      %dma_wait3A_389 = arith.constant 0 : i32
      %dma_wait3A_390 = arith.constant 0 : i32
      %dma_wait3A_391 = tpu.memref_slice %arg6[%dma_wait3A_378, %dma_wait3A_389, %dma_wait3A_390] : memref<2x128x128xf32, #tpu.memory_space<vmem>> -> memref<1x128x128xf32, #tpu.memory_space<vmem>>
      %dma_wait3A_392 = tpu.memref_squeeze %dma_wait3A_391 : memref<1x128x128xf32, #tpu.memory_space<vmem>> -> memref<128x128xf32, #tpu.memory_space<vmem>>
      %dma_wait3A_393 = arith.constant 0 : i32
      %dma_wait3A_394 = arith.constant 0 : i32
      %dma_wait3A_395 = tpu.memref_slice %arg2[%dma_wait3A_393, %dma_wait3A_394] : memref<1000000x128xf32, #tpu.memory_space<hbm>> -> memref<128x128xf32, #tpu.memory_space<hbm>>
      tpu.wait_dma2 semaphore(%dma_wait3A_388 : memref<!tpu.dma_semaphore, #tpu.memory_space<semaphore_mem>>) src(%dma_wait3A_395 : memref<128x128xf32, #tpu.memory_space<hbm>>) dst(%dma_wait3A_392 : memref<128x128xf32, #tpu.memory_space<vmem>>)
      %dma_wait3A_396 = arith.constant 1 : i32
      %dma_wait3A_397 = arith.constant 1 : i32
      %dma_wait3A_398 = arith.constant 0 : i32
      %dma_wait3A_399 = arith.constant 0 : i32
      %dma_wait3A_400 = tpu.memref_slice %arg7[%dma_wait3A_396, %dma_wait3A_398, %dma_wait3A_399] : memref<2x128x64xf32, #tpu.memory_space<vmem>> -> memref<1x128x64xf32, #tpu.memory_space<vmem>>
      %dma_wait3A_401 = tpu.memref_squeeze %dma_wait3A_400 : memref<1x128x64xf32, #tpu.memory_space<vmem>> -> memref<128x64xf32, #tpu.memory_space<vmem>>
      %dma_wait3A_402 = arith.constant 0 : i32
      %dma_wait3A_403 = arith.constant 0 : i32
      %dma_wait3A_404 = tpu.memref_slice %arg4[%dma_wait3A_402, %dma_wait3A_403] : memref<819200x64xf32, #tpu.memory_space<hbm>> -> memref<128x64xf32, #tpu.memory_space<hbm>>
      %dma_wait3A_405 = tpu.memref_slice %arg9[%dma_wait3A_397] : memref<2x!tpu.dma_semaphore, #tpu.memory_space<semaphore_mem>> -> memref<1x!tpu.dma_semaphore, #tpu.memory_space<semaphore_mem>>
      %dma_wait3A_406 = tpu.memref_squeeze %dma_wait3A_405 : memref<1x!tpu.dma_semaphore, #tpu.memory_space<semaphore_mem>> -> memref<!tpu.dma_semaphore, #tpu.memory_space<semaphore_mem>>
      %dma_wait3A_407 = arith.constant 0 : i32
      %dma_wait3A_408 = arith.constant 0 : i32
      %dma_wait3A_409 = tpu.memref_slice %arg4[%dma_wait3A_407, %dma_wait3A_408] : memref<819200x64xf32, #tpu.memory_space<hbm>> -> memref<128x64xf32, #tpu.memory_space<hbm>>
      %dma_wait3A_410 = arith.constant 0 : i32
      %dma_wait3A_411 = arith.constant 0 : i32
      %dma_wait3A_412 = tpu.memref_slice %arg7[%dma_wait3A_396, %dma_wait3A_410, %dma_wait3A_411] : memref<2x128x64xf32, #tpu.memory_space<vmem>> -> memref<1x128x64xf32, #tpu.memory_space<vmem>>
      %dma_wait3A_413 = tpu.memref_squeeze %dma_wait3A_412 : memref<1x128x64xf32, #tpu.memory_space<vmem>> -> memref<128x64xf32, #tpu.memory_space<vmem>>
      tpu.wait_dma2 semaphore(%dma_wait3A_406 : memref<!tpu.dma_semaphore, #tpu.memory_space<semaphore_mem>>) src(%dma_wait3A_413 : memref<128x64xf32, #tpu.memory_space<vmem>>) dst(%dma_wait3A_409 : memref<128x64xf32, #tpu.memory_space<hbm>>)
      %parallel_loop3A_414 = arith.constant 0 : i32
      %parallel_loop3A_415 = arith.constant 128 : i32
      %parallel_loop3A_416 = arith.constant 1 : i32
      %parallel_loop3A_417 = arith.constant 1 : i32
      %parallel_loop3A_418 = arith.constant 1 : i32
      scf.for %parallel_loop3A_454 = %parallel_loop3A_414 to %parallel_loop3A_415 step %parallel_loop3A_416  : i32 {
        %parallel_loop3A_455 = arith.constant 0 : i32
        %parallel_loop3A_456 = arith.constant 0 : i32
        %parallel_loop3A_457 = tpu.memref_slice %arg6[%parallel_loop3A_417, %parallel_loop3A_455, %parallel_loop3A_456] : memref<2x128x128xf32, #tpu.memory_space<vmem>> -> memref<1x128x128xf32, #tpu.memory_space<vmem>>
        %parallel_loop3A_458 = tpu.memref_squeeze %parallel_loop3A_457 : memref<1x128x128xf32, #tpu.memory_space<vmem>> -> memref<128x128xf32, #tpu.memory_space<vmem>>
        %parallel_loop3A_459 = arith.index_cast %parallel_loop3A_454 : i32 to index
        %parallel_loop3A_460 = arith.constant 0 : index
        %parallel_loop3A_461 = tpu.vector_load %parallel_loop3A_458[%parallel_loop3A_459, %parallel_loop3A_460] {strides = array<i32>} : memref<128x128xf32, #tpu.memory_space<vmem>>, vector<16xf32>,
        %parallel_loop3A_462 = arith.constant 8.000000e+00 : f32
        %parallel_loop3A_463 = vector.broadcast %parallel_loop3A_462 : f32 to vector<16xf32>
        %parallel_loop3A_464 = arith.mulf %parallel_loop3A_461, %parallel_loop3A_463 : vector<16xf32>
        %parallel_loop3A_465 = arith.constant 0 : i32
        %parallel_loop3A_466 = arith.constant 0 : i32
        %parallel_loop3A_467 = tpu.memref_slice %arg7[%parallel_loop3A_418, %parallel_loop3A_465, %parallel_loop3A_466] : memref<2x128x64xf32, #tpu.memory_space<vmem>> -> memref<1x128x64xf32, #tpu.memory_space<vmem>>
        %parallel_loop3A_468 = tpu.memref_squeeze %parallel_loop3A_467 : memref<1x128x64xf32, #tpu.memory_space<vmem>> -> memref<128x64xf32, #tpu.memory_space<vmem>>
        %parallel_loop3A_469 = arith.index_cast %parallel_loop3A_454 : i32 to index
        %parallel_loop3A_470 = arith.constant 0 : index
        %parallel_loop3A_471 = tpu.vector_load %parallel_loop3A_468[%parallel_loop3A_469, %parallel_loop3A_470] {strides = array<i32>} : memref<128x64xf32, #tpu.memory_space<vmem>>, vector<16xf32>,
        tpu.vector_store %parallel_loop3A_468[%parallel_loop3A_469, %parallel_loop3A_470], %parallel_loop3A_464 {strides = array<i32>} : memref<128x64xf32, #tpu.memory_space<vmem>>, vector<16xf32>,
        %parallel_loop3A_472 = arith.constant 0 : i32
        %parallel_loop3A_473 = arith.constant 0 : i32
        %parallel_loop3A_474 = tpu.memref_slice %arg6[%parallel_loop3A_417, %parallel_loop3A_472, %parallel_loop3A_473] : memref<2x128x128xf32, #tpu.memory_space<vmem>> -> memref<1x128x128xf32, #tpu.memory_space<vmem>>
        %parallel_loop3A_475 = tpu.memref_squeeze %parallel_loop3A_474 : memref<1x128x128xf32, #tpu.memory_space<vmem>> -> memref<128x128xf32, #tpu.memory_space<vmem>>
        %parallel_loop3A_476 = arith.index_cast %parallel_loop3A_454 : i32 to index
        %parallel_loop3A_477 = arith.constant 16 : index
        %parallel_loop3A_478 = tpu.vector_load %parallel_loop3A_475[%parallel_loop3A_476, %parallel_loop3A_477] {strides = array<i32>} : memref<128x128xf32, #tpu.memory_space<vmem>>, vector<16xf32>,
        %parallel_loop3A_479 = arith.constant 8.000000e+00 : f32
        %parallel_loop3A_480 = vector.broadcast %parallel_loop3A_479 : f32 to vector<16xf32>
        %parallel_loop3A_481 = arith.mulf %parallel_loop3A_478, %parallel_loop3A_480 : vector<16xf32>
        %parallel_loop3A_482 = arith.constant 0 : i32
        %parallel_loop3A_483 = arith.constant 0 : i32
        %parallel_loop3A_484 = tpu.memref_slice %arg7[%parallel_loop3A_418, %parallel_loop3A_482, %parallel_loop3A_483] : memref<2x128x64xf32, #tpu.memory_space<vmem>> -> memref<1x128x64xf32, #tpu.memory_space<vmem>>
        %parallel_loop3A_485 = tpu.memref_squeeze %parallel_loop3A_484 : memref<1x128x64xf32, #tpu.memory_space<vmem>> -> memref<128x64xf32, #tpu.memory_space<vmem>>
        %parallel_loop3A_486 = arith.index_cast %parallel_loop3A_454 : i32 to index
        %parallel_loop3A_487 = arith.constant 16 : index
        %parallel_loop3A_488 = tpu.vector_load %parallel_loop3A_485[%parallel_loop3A_486, %parallel_loop3A_487] {strides = array<i32>} : memref<128x64xf32, #tpu.memory_space<vmem>>, vector<16xf32>,
        tpu.vector_store %parallel_loop3A_485[%parallel_loop3A_486, %parallel_loop3A_487], %parallel_loop3A_481 {strides = array<i32>} : memref<128x64xf32, #tpu.memory_space<vmem>>, vector<16xf32>,
        %parallel_loop3A_489 = arith.constant 0 : i32
        %parallel_loop3A_490 = arith.constant 0 : i32
        %parallel_loop3A_491 = tpu.memref_slice %arg6[%parallel_loop3A_417, %parallel_loop3A_489, %parallel_loop3A_490] : memref<2x128x128xf32, #tpu.memory_space<vmem>> -> memref<1x128x128xf32, #tpu.memory_space<vmem>>
        %parallel_loop3A_492 = tpu.memref_squeeze %parallel_loop3A_491 : memref<1x128x128xf32, #tpu.memory_space<vmem>> -> memref<128x128xf32, #tpu.memory_space<vmem>>
        %parallel_loop3A_493 = arith.index_cast %parallel_loop3A_454 : i32 to index
        %parallel_loop3A_494 = arith.constant 32 : index
        %parallel_loop3A_495 = tpu.vector_load %parallel_loop3A_492[%parallel_loop3A_493, %parallel_loop3A_494] {strides = array<i32>} : memref<128x128xf32, #tpu.memory_space<vmem>>, vector<16xf32>,
        %parallel_loop3A_496 = arith.constant 8.000000e+00 : f32
        %parallel_loop3A_497 = vector.broadcast %parallel_loop3A_496 : f32 to vector<16xf32>
        %parallel_loop3A_498 = arith.mulf %parallel_loop3A_495, %parallel_loop3A_497 : vector<16xf32>
        %parallel_loop3A_499 = arith.constant 0 : i32
        %parallel_loop3A_500 = arith.constant 0 : i32
        %parallel_loop3A_501 = tpu.memref_slice %arg7[%parallel_loop3A_418, %parallel_loop3A_499, %parallel_loop3A_500] : memref<2x128x64xf32, #tpu.memory_space<vmem>> -> memref<1x128x64xf32, #tpu.memory_space<vmem>>
        %parallel_loop3A_502 = tpu.memref_squeeze %parallel_loop3A_501 : memref<1x128x64xf32, #tpu.memory_space<vmem>> -> memref<128x64xf32, #tpu.memory_space<vmem>>
        %parallel_loop3A_503 = arith.index_cast %parallel_loop3A_454 : i32 to index
        %parallel_loop3A_504 = arith.constant 32 : index
        %parallel_loop3A_505 = tpu.vector_load %parallel_loop3A_502[%parallel_loop3A_503, %parallel_loop3A_504] {strides = array<i32>} : memref<128x64xf32, #tpu.memory_space<vmem>>, vector<16xf32>,
        tpu.vector_store %parallel_loop3A_502[%parallel_loop3A_503, %parallel_loop3A_504], %parallel_loop3A_498 {strides = array<i32>} : memref<128x64xf32, #tpu.memory_space<vmem>>, vector<16xf32>,
        %parallel_loop3A_506 = arith.constant 0 : i32
        %parallel_loop3A_507 = arith.constant 0 : i32
        %parallel_loop3A_508 = tpu.memref_slice %arg6[%parallel_loop3A_417, %parallel_loop3A_506, %parallel_loop3A_507] : memref<2x128x128xf32, #tpu.memory_space<vmem>> -> memref<1x128x128xf32, #tpu.memory_space<vmem>>
        %parallel_loop3A_509 = tpu.memref_squeeze %parallel_loop3A_508 : memref<1x128x128xf32, #tpu.memory_space<vmem>> -> memref<128x128xf32, #tpu.memory_space<vmem>>
        %parallel_loop3A_510 = arith.index_cast %parallel_loop3A_454 : i32 to index
        %parallel_loop3A_511 = arith.constant 48 : index
        %parallel_loop3A_512 = tpu.vector_load %parallel_loop3A_509[%parallel_loop3A_510, %parallel_loop3A_511] {strides = array<i32>} : memref<128x128xf32, #tpu.memory_space<vmem>>, vector<16xf32>,
        %parallel_loop3A_513 = arith.constant 8.000000e+00 : f32
        %parallel_loop3A_514 = vector.broadcast %parallel_loop3A_513 : f32 to vector<16xf32>
        %parallel_loop3A_515 = arith.mulf %parallel_loop3A_512, %parallel_loop3A_514 : vector<16xf32>
        %parallel_loop3A_516 = arith.constant 0 : i32
        %parallel_loop3A_517 = arith.constant 0 : i32
        %parallel_loop3A_518 = tpu.memref_slice %arg7[%parallel_loop3A_418, %parallel_loop3A_516, %parallel_loop3A_517] : memref<2x128x64xf32, #tpu.memory_space<vmem>> -> memref<1x128x64xf32, #tpu.memory_space<vmem>>
        %parallel_loop3A_519 = tpu.memref_squeeze %parallel_loop3A_518 : memref<1x128x64xf32, #tpu.memory_space<vmem>> -> memref<128x64xf32, #tpu.memory_space<vmem>>
        %parallel_loop3A_520 = arith.index_cast %parallel_loop3A_454 : i32 to index
        %parallel_loop3A_521 = arith.constant 48 : index
        %parallel_loop3A_522 = tpu.vector_load %parallel_loop3A_519[%parallel_loop3A_520, %parallel_loop3A_521] {strides = array<i32>} : memref<128x64xf32, #tpu.memory_space<vmem>>, vector<16xf32>,
        tpu.vector_store %parallel_loop3A_519[%parallel_loop3A_520, %parallel_loop3A_521], %parallel_loop3A_515 {strides = array<i32>} : memref<128x64xf32, #tpu.memory_space<vmem>>, vector<16xf32>,
      } {sc.loop_unroll_factor = 4 : i64, sc.parallel_access}
      %add3A_419 = arith.constant 2 : i32
      %add3A_420 = arith.addi %add3A_377, %add3A_419 : i32
      %mul3A_421 = arith.constant 128 : i32
      %mul3A_422 = arith.muli %add3A_420, %mul3A_421 : i32
      %dma_start3A_423 = arith.constant 1 : i32
      %dma_start3A_424 = arith.constant 1 : i32
      %dma_start3A_425 = arith.constant 0 : i32
      %dma_start3A_426 = arith.constant 0 : i32
      %dma_start3A_427 = tpu.memref_slice %arg6[%dma_start3A_423, %dma_start3A_425, %dma_start3A_426] : memref<2x128x128xf32, #tpu.memory_space<vmem>> -> memref<1x128x128xf32, #tpu.memory_space<vmem>>
      %dma_start3A_428 = tpu.memref_squeeze %dma_start3A_427 : memref<1x128x128xf32, #tpu.memory_space<vmem>> -> memref<128x128xf32, #tpu.memory_space<vmem>>
      %dma_start3A_429 = tpu.memref_slice %arg5[%mul3A_422] : memref<25600xi32, #tpu.memory_space<vmem>> -> memref<128xi32, #tpu.memory_space<vmem>>
      %dma_start3A_430 = arith.constant 0 : i32
      %dma_start3A_431 = arith.constant 0 : i32
      %dma_start3A_432 = tpu.memref_slice %arg2[%dma_start3A_430, %dma_start3A_431] : memref<1000000x128xf32, #tpu.memory_space<hbm>> -> memref<1000000x128xf32, #tpu.memory_space<hbm>>
      %dma_start3A_433 = tpu.memref_slice %arg8[%dma_start3A_424] : memref<2x!tpu.dma_semaphore, #tpu.memory_space<semaphore_mem>> -> memref<1x!tpu.dma_semaphore, #tpu.memory_space<semaphore_mem>>
      %dma_start3A_434 = tpu.memref_squeeze %dma_start3A_433 : memref<1x!tpu.dma_semaphore, #tpu.memory_space<semaphore_mem>> -> memref<!tpu.dma_semaphore, #tpu.memory_space<semaphore_mem>>
      tpu.enqueue_indirect_dma source(%dma_start3A_432 : memref<1000000x128xf32, #tpu.memory_space<hbm>>) target(%dma_start3A_428 : memref<128x128xf32, #tpu.memory_space<vmem>>) offsets(%dma_start3A_429 : memref<128xi32, #tpu.memory_space<vmem>>) semaphore(%dma_start3A_434 : memref<!tpu.dma_semaphore, #tpu.memory_space<semaphore_mem>>)
      %mul3A_435 = arith.constant 128 : i32
      %mul3A_436 = arith.muli %add3A_377, %mul3A_435 : i32
      %add3A_437 = arith.addi %mul3A_2, %mul3A_436 : i32
      %dma_start3A_438 = arith.constant 1 : i32
      %dma_start3A_439 = arith.constant 1 : i32
      %dma_start3A_440 = arith.constant 0 : i32
      %dma_start3A_441 = arith.constant 0 : i32
      %dma_start3A_442 = tpu.memref_slice %arg7[%dma_start3A_438, %dma_start3A_440, %dma_start3A_441] : memref<2x128x64xf32, #tpu.memory_space<vmem>> -> memref<1x128x64xf32, #tpu.memory_space<vmem>>
      %dma_start3A_443 = tpu.memref_squeeze %dma_start3A_442 : memref<1x128x64xf32, #tpu.memory_space<vmem>> -> memref<128x64xf32, #tpu.memory_space<vmem>>
      %dma_start3A_444 = arith.constant 0 : i32
      %dma_start3A_445 = tpu.memref_slice %arg4[%add3A_437, %dma_start3A_444] : memref<819200x64xf32, #tpu.memory_space<hbm>> -> memref<128x64xf32, #tpu.memory_space<hbm>>
      %dma_start3A_446 = tpu.memref_slice %arg9[%dma_start3A_439] : memref<2x!tpu.dma_semaphore, #tpu.memory_space<semaphore_mem>> -> memref<1x!tpu.dma_semaphore, #tpu.memory_space<semaphore_mem>>
      %dma_start3A_447 = tpu.memref_squeeze %dma_start3A_446 : memref<1x!tpu.dma_semaphore, #tpu.memory_space<semaphore_mem>> -> memref<!tpu.dma_semaphore, #tpu.memory_space<semaphore_mem>>
      %dma_start3A_448 = arith.constant 0 : i32
      %dma_start3A_449 = tpu.memref_slice %arg4[%add3A_437, %dma_start3A_448] : memref<819200x64xf32, #tpu.memory_space<hbm>> -> memref<128x64xf32, #tpu.memory_space<hbm>>
      %dma_start3A_450 = arith.constant 0 : i32
      %dma_start3A_451 = arith.constant 0 : i32
      %dma_start3A_452 = tpu.memref_slice %arg7[%dma_start3A_438, %dma_start3A_450, %dma_start3A_451] : memref<2x128x64xf32, #tpu.memory_space<vmem>> -> memref<1x128x64xf32, #tpu.memory_space<vmem>>
      %dma_start3A_453 = tpu.memref_squeeze %dma_start3A_452 : memref<1x128x64xf32, #tpu.memory_space<vmem>> -> memref<128x64xf32, #tpu.memory_space<vmem>>
      tpu.enqueue_dma source(%dma_start3A_453 : memref<128x64xf32, #tpu.memory_space<vmem>>) target(%dma_start3A_449 : memref<128x64xf32, #tpu.memory_space<hbm>>) target_semaphore(%dma_start3A_447 : memref<!tpu.dma_semaphore, #tpu.memory_space<semaphore_mem>>)
    }
    %scan3A_138 = arith.constant 98 : i32
    %dma_wait3A_139 = arith.constant 0 : i32
    %dma_wait3A_140 = arith.constant 0 : i32
    %dma_wait3A_141 = arith.constant 0 : i32
    %dma_wait3A_142 = arith.constant 0 : i32
    %dma_wait3A_143 = tpu.memref_slice %arg6[%dma_wait3A_139, %dma_wait3A_141, %dma_wait3A_142] : memref<2x128x128xf32, #tpu.memory_space<vmem>> -> memref<1x128x128xf32, #tpu.memory_space<vmem>>
    %dma_wait3A_144 = tpu.memref_squeeze %dma_wait3A_143 : memref<1x128x128xf32, #tpu.memory_space<vmem>> -> memref<128x128xf32, #tpu.memory_space<vmem>>
    %dma_wait3A_145 = arith.constant 0 : i32
    %dma_wait3A_146 = arith.constant 0 : i32
    %dma_wait3A_147 = tpu.memref_slice %arg2[%dma_wait3A_145, %dma_wait3A_146] : memref<1000000x128xf32, #tpu.memory_space<hbm>> -> memref<128x128xf32, #tpu.memory_space<hbm>>
    %dma_wait3A_148 = tpu.memref_slice %arg8[%dma_wait3A_140] : memref<2x!tpu.dma_semaphore, #tpu.memory_space<semaphore_mem>> -> memref<1x!tpu.dma_semaphore, #tpu.memory_space<semaphore_mem>>
    %dma_wait3A_149 = tpu.memref_squeeze %dma_wait3A_148 : memref<1x!tpu.dma_semaphore, #tpu.memory_space<semaphore_mem>> -> memref<!tpu.dma_semaphore, #tpu.memory_space<semaphore_mem>>
    %dma_wait3A_150 = arith.constant 0 : i32
    %dma_wait3A_151 = arith.constant 0 : i32
    %dma_wait3A_152 = tpu.memref_slice %arg6[%dma_wait3A_139, %dma_wait3A_150, %dma_wait3A_151] : memref<2x128x128xf32, #tpu.memory_space<vmem>> -> memref<1x128x128xf32, #tpu.memory_space<vmem>>
    %dma_wait3A_153 = tpu.memref_squeeze %dma_wait3A_152 : memref<1x128x128xf32, #tpu.memory_space<vmem>> -> memref<128x128xf32, #tpu.memory_space<vmem>>
    %dma_wait3A_154 = arith.constant 0 : i32
    %dma_wait3A_155 = arith.constant 0 : i32
    %dma_wait3A_156 = tpu.memref_slice %arg2[%dma_wait3A_154, %dma_wait3A_155] : memref<1000000x128xf32, #tpu.memory_space<hbm>> -> memref<128x128xf32, #tpu.memory_space<hbm>>
    tpu.wait_dma2 semaphore(%dma_wait3A_149 : memref<!tpu.dma_semaphore, #tpu.memory_space<semaphore_mem>>) src(%dma_wait3A_156 : memref<128x128xf32, #tpu.memory_space<hbm>>) dst(%dma_wait3A_153 : memref<128x128xf32, #tpu.memory_space<vmem>>)
    %dma_wait3A_157 = arith.constant 0 : i32
    %dma_wait3A_158 = arith.constant 0 : i32
    %dma_wait3A_159 = arith.constant 0 : i32
    %dma_wait3A_160 = arith.constant 0 : i32
    %dma_wait3A_161 = tpu.memref_slice %arg7[%dma_wait3A_157, %dma_wait3A_159, %dma_wait3A_160] : memref<2x128x64xf32, #tpu.memory_space<vmem>> -> memref<1x128x64xf32, #tpu.memory_space<vmem>>
    %dma_wait3A_162 = tpu.memref_squeeze %dma_wait3A_161 : memref<1x128x64xf32, #tpu.memory_space<vmem>> -> memref<128x64xf32, #tpu.memory_space<vmem>>
    %dma_wait3A_163 = arith.constant 0 : i32
    %dma_wait3A_164 = arith.constant 0 : i32
    %dma_wait3A_165 = tpu.memref_slice %arg4[%dma_wait3A_163, %dma_wait3A_164] : memref<819200x64xf32, #tpu.memory_space<hbm>> -> memref<128x64xf32, #tpu.memory_space<hbm>>
    %dma_wait3A_166 = tpu.memref_slice %arg9[%dma_wait3A_158] : memref<2x!tpu.dma_semaphore, #tpu.memory_space<semaphore_mem>> -> memref<1x!tpu.dma_semaphore, #tpu.memory_space<semaphore_mem>>
    %dma_wait3A_167 = tpu.memref_squeeze %dma_wait3A_166 : memref<1x!tpu.dma_semaphore, #tpu.memory_space<semaphore_mem>> -> memref<!tpu.dma_semaphore, #tpu.memory_space<semaphore_mem>>
    %dma_wait3A_168 = arith.constant 0 : i32
    %dma_wait3A_169 = arith.constant 0 : i32
    %dma_wait3A_170 = tpu.memref_slice %arg4[%dma_wait3A_168, %dma_wait3A_169] : memref<819200x64xf32, #tpu.memory_space<hbm>> -> memref<128x64xf32, #tpu.memory_space<hbm>>
    %dma_wait3A_171 = arith.constant 0 : i32
    %dma_wait3A_172 = arith.constant 0 : i32
    %dma_wait3A_173 = tpu.memref_slice %arg7[%dma_wait3A_157, %dma_wait3A_171, %dma_wait3A_172] : memref<2x128x64xf32, #tpu.memory_space<vmem>> -> memref<1x128x64xf32, #tpu.memory_space<vmem>>
    %dma_wait3A_174 = tpu.memref_squeeze %dma_wait3A_173 : memref<1x128x64xf32, #tpu.memory_space<vmem>> -> memref<128x64xf32, #tpu.memory_space<vmem>>
    tpu.wait_dma2 semaphore(%dma_wait3A_167 : memref<!tpu.dma_semaphore, #tpu.memory_space<semaphore_mem>>) src(%dma_wait3A_174 : memref<128x64xf32, #tpu.memory_space<vmem>>) dst(%dma_wait3A_170 : memref<128x64xf32, #tpu.memory_space<hbm>>)
    %parallel_loop3A_175 = arith.constant 0 : i32
    %parallel_loop3A_176 = arith.constant 128 : i32
    %parallel_loop3A_177 = arith.constant 1 : i32
    %parallel_loop3A_178 = arith.constant 0 : i32
    %parallel_loop3A_179 = arith.constant 0 : i32
    scf.for %parallel_loop3A_293 = %parallel_loop3A_175 to %parallel_loop3A_176 step %parallel_loop3A_177  : i32 {
      %parallel_loop3A_294 = arith.constant 0 : i32
      %parallel_loop3A_295 = arith.constant 0 : i32
      %parallel_loop3A_296 = tpu.memref_slice %arg6[%parallel_loop3A_178, %parallel_loop3A_294, %parallel_loop3A_295] : memref<2x128x128xf32, #tpu.memory_space<vmem>> -> memref<1x128x128xf32, #tpu.memory_space<vmem>>
      %parallel_loop3A_297 = tpu.memref_squeeze %parallel_loop3A_296 : memref<1x128x128xf32, #tpu.memory_space<vmem>> -> memref<128x128xf32, #tpu.memory_space<vmem>>
      %parallel_loop3A_298 = arith.index_cast %parallel_loop3A_293 : i32 to index
      %parallel_loop3A_299 = arith.constant 0 : index
      %parallel_loop3A_300 = tpu.vector_load %parallel_loop3A_297[%parallel_loop3A_298, %parallel_loop3A_299] {strides = array<i32>} : memref<128x128xf32, #tpu.memory_space<vmem>>, vector<16xf32>,
      %parallel_loop3A_301 = arith.constant 8.000000e+00 : f32
      %parallel_loop3A_302 = vector.broadcast %parallel_loop3A_301 : f32 to vector<16xf32>
      %parallel_loop3A_303 = arith.mulf %parallel_loop3A_300, %parallel_loop3A_302 : vector<16xf32>
      %parallel_loop3A_304 = arith.constant 0 : i32
      %parallel_loop3A_305 = arith.constant 0 : i32
      %parallel_loop3A_306 = tpu.memref_slice %arg7[%parallel_loop3A_179, %parallel_loop3A_304, %parallel_loop3A_305] : memref<2x128x64xf32, #tpu.memory_space<vmem>> -> memref<1x128x64xf32, #tpu.memory_space<vmem>>
      %parallel_loop3A_307 = tpu.memref_squeeze %parallel_loop3A_306 : memref<1x128x64xf32, #tpu.memory_space<vmem>> -> memref<128x64xf32, #tpu.memory_space<vmem>>
      %parallel_loop3A_308 = arith.index_cast %parallel_loop3A_293 : i32 to index
      %parallel_loop3A_309 = arith.constant 0 : index
      %parallel_loop3A_310 = tpu.vector_load %parallel_loop3A_307[%parallel_loop3A_308, %parallel_loop3A_309] {strides = array<i32>} : memref<128x64xf32, #tpu.memory_space<vmem>>, vector<16xf32>,
      tpu.vector_store %parallel_loop3A_307[%parallel_loop3A_308, %parallel_loop3A_309], %parallel_loop3A_303 {strides = array<i32>} : memref<128x64xf32, #tpu.memory_space<vmem>>, vector<16xf32>,
      %parallel_loop3A_311 = arith.constant 0 : i32
      %parallel_loop3A_312 = arith.constant 0 : i32
      %parallel_loop3A_313 = tpu.memref_slice %arg6[%parallel_loop3A_178, %parallel_loop3A_311, %parallel_loop3A_312] : memref<2x128x128xf32, #tpu.memory_space<vmem>> -> memref<1x128x128xf32, #tpu.memory_space<vmem>>
      %parallel_loop3A_314 = tpu.memref_squeeze %parallel_loop3A_313 : memref<1x128x128xf32, #tpu.memory_space<vmem>> -> memref<128x128xf32, #tpu.memory_space<vmem>>
      %parallel_loop3A_315 = arith.index_cast %parallel_loop3A_293 : i32 to index
      %parallel_loop3A_316 = arith.constant 16 : index
      %parallel_loop3A_317 = tpu.vector_load %parallel_loop3A_314[%parallel_loop3A_315, %parallel_loop3A_316] {strides = array<i32>} : memref<128x128xf32, #tpu.memory_space<vmem>>, vector<16xf32>,
      %parallel_loop3A_318 = arith.constant 8.000000e+00 : f32
      %parallel_loop3A_319 = vector.broadcast %parallel_loop3A_318 : f32 to vector<16xf32>
      %parallel_loop3A_320 = arith.mulf %parallel_loop3A_317, %parallel_loop3A_319 : vector<16xf32>
      %parallel_loop3A_321 = arith.constant 0 : i32
      %parallel_loop3A_322 = arith.constant 0 : i32
      %parallel_loop3A_323 = tpu.memref_slice %arg7[%parallel_loop3A_179, %parallel_loop3A_321, %parallel_loop3A_322] : memref<2x128x64xf32, #tpu.memory_space<vmem>> -> memref<1x128x64xf32, #tpu.memory_space<vmem>>
      %parallel_loop3A_324 = tpu.memref_squeeze %parallel_loop3A_323 : memref<1x128x64xf32, #tpu.memory_space<vmem>> -> memref<128x64xf32, #tpu.memory_space<vmem>>
      %parallel_loop3A_325 = arith.index_cast %parallel_loop3A_293 : i32 to index
      %parallel_loop3A_326 = arith.constant 16 : index
      %parallel_loop3A_327 = tpu.vector_load %parallel_loop3A_324[%parallel_loop3A_325, %parallel_loop3A_326] {strides = array<i32>} : memref<128x64xf32, #tpu.memory_space<vmem>>, vector<16xf32>,
      tpu.vector_store %parallel_loop3A_324[%parallel_loop3A_325, %parallel_loop3A_326], %parallel_loop3A_320 {strides = array<i32>} : memref<128x64xf32, #tpu.memory_space<vmem>>, vector<16xf32>,
      %parallel_loop3A_328 = arith.constant 0 : i32
      %parallel_loop3A_329 = arith.constant 0 : i32
      %parallel_loop3A_330 = tpu.memref_slice %arg6[%parallel_loop3A_178, %parallel_loop3A_328, %parallel_loop3A_329] : memref<2x128x128xf32, #tpu.memory_space<vmem>> -> memref<1x128x128xf32, #tpu.memory_space<vmem>>
      %parallel_loop3A_331 = tpu.memref_squeeze %parallel_loop3A_330 : memref<1x128x128xf32, #tpu.memory_space<vmem>> -> memref<128x128xf32, #tpu.memory_space<vmem>>
      %parallel_loop3A_332 = arith.index_cast %parallel_loop3A_293 : i32 to index
      %parallel_loop3A_333 = arith.constant 32 : index
      %parallel_loop3A_334 = tpu.vector_load %parallel_loop3A_331[%parallel_loop3A_332, %parallel_loop3A_333] {strides = array<i32>} : memref<128x128xf32, #tpu.memory_space<vmem>>, vector<16xf32>,
      %parallel_loop3A_335 = arith.constant 8.000000e+00 : f32
      %parallel_loop3A_336 = vector.broadcast %parallel_loop3A_335 : f32 to vector<16xf32>
      %parallel_loop3A_337 = arith.mulf %parallel_loop3A_334, %parallel_loop3A_336 : vector<16xf32>
      %parallel_loop3A_338 = arith.constant 0 : i32
      %parallel_loop3A_339 = arith.constant 0 : i32
      %parallel_loop3A_340 = tpu.memref_slice %arg7[%parallel_loop3A_179, %parallel_loop3A_338, %parallel_loop3A_339] : memref<2x128x64xf32, #tpu.memory_space<vmem>> -> memref<1x128x64xf32, #tpu.memory_space<vmem>>
      %parallel_loop3A_341 = tpu.memref_squeeze %parallel_loop3A_340 : memref<1x128x64xf32, #tpu.memory_space<vmem>> -> memref<128x64xf32, #tpu.memory_space<vmem>>
      %parallel_loop3A_342 = arith.index_cast %parallel_loop3A_293 : i32 to index
      %parallel_loop3A_343 = arith.constant 32 : index
      %parallel_loop3A_344 = tpu.vector_load %parallel_loop3A_341[%parallel_loop3A_342, %parallel_loop3A_343] {strides = array<i32>} : memref<128x64xf32, #tpu.memory_space<vmem>>, vector<16xf32>,
      tpu.vector_store %parallel_loop3A_341[%parallel_loop3A_342, %parallel_loop3A_343], %parallel_loop3A_337 {strides = array<i32>} : memref<128x64xf32, #tpu.memory_space<vmem>>, vector<16xf32>,
      %parallel_loop3A_345 = arith.constant 0 : i32
      %parallel_loop3A_346 = arith.constant 0 : i32
      %parallel_loop3A_347 = tpu.memref_slice %arg6[%parallel_loop3A_178, %parallel_loop3A_345, %parallel_loop3A_346] : memref<2x128x128xf32, #tpu.memory_space<vmem>> -> memref<1x128x128xf32, #tpu.memory_space<vmem>>
      %parallel_loop3A_348 = tpu.memref_squeeze %parallel_loop3A_347 : memref<1x128x128xf32, #tpu.memory_space<vmem>> -> memref<128x128xf32, #tpu.memory_space<vmem>>
      %parallel_loop3A_349 = arith.index_cast %parallel_loop3A_293 : i32 to index
      %parallel_loop3A_350 = arith.constant 48 : index
      %parallel_loop3A_351 = tpu.vector_load %parallel_loop3A_348[%parallel_loop3A_349, %parallel_loop3A_350] {strides = array<i32>} : memref<128x128xf32, #tpu.memory_space<vmem>>, vector<16xf32>,
      %parallel_loop3A_352 = arith.constant 8.000000e+00 : f32
      %parallel_loop3A_353 = vector.broadcast %parallel_loop3A_352 : f32 to vector<16xf32>
      %parallel_loop3A_354 = arith.mulf %parallel_loop3A_351, %parallel_loop3A_353 : vector<16xf32>
      %parallel_loop3A_355 = arith.constant 0 : i32
      %parallel_loop3A_356 = arith.constant 0 : i32
      %parallel_loop3A_357 = tpu.memref_slice %arg7[%parallel_loop3A_179, %parallel_loop3A_355, %parallel_loop3A_356] : memref<2x128x64xf32, #tpu.memory_space<vmem>> -> memref<1x128x64xf32, #tpu.memory_space<vmem>>
      %parallel_loop3A_358 = tpu.memref_squeeze %parallel_loop3A_357 : memref<1x128x64xf32, #tpu.memory_space<vmem>> -> memref<128x64xf32, #tpu.memory_space<vmem>>
      %parallel_loop3A_359 = arith.index_cast %parallel_loop3A_293 : i32 to index
      %parallel_loop3A_360 = arith.constant 48 : index
      %parallel_loop3A_361 = tpu.vector_load %parallel_loop3A_358[%parallel_loop3A_359, %parallel_loop3A_360] {strides = array<i32>} : memref<128x64xf32, #tpu.memory_space<vmem>>, vector<16xf32>,
      tpu.vector_store %parallel_loop3A_358[%parallel_loop3A_359, %parallel_loop3A_360], %parallel_loop3A_354 {strides = array<i32>} : memref<128x64xf32, #tpu.memory_space<vmem>>, vector<16xf32>,
    } {sc.loop_unroll_factor = 4 : i64, sc.parallel_access}
    %add3A_180 = arith.constant 25344 : i32
    %add3A_181 = arith.addi %mul3A_2, %add3A_180 : i32
    %dma_start3A_182 = arith.constant 0 : i32
    %dma_start3A_183 = arith.constant 0 : i32
    %dma_start3A_184 = arith.constant 0 : i32
    %dma_start3A_185 = arith.constant 0 : i32
    %dma_start3A_186 = tpu.memref_slice %arg7[%dma_start3A_182, %dma_start3A_184, %dma_start3A_185] : memref<2x128x64xf32, #tpu.memory_space<vmem>> -> memref<1x128x64xf32, #tpu.memory_space<vmem>>
    %dma_start3A_187 = tpu.memref_squeeze %dma_start3A_186 : memref<1x128x64xf32, #tpu.memory_space<vmem>> -> memref<128x64xf32, #tpu.memory_space<vmem>>
    %dma_start3A_188 = arith.constant 0 : i32
    %dma_start3A_189 = tpu.memref_slice %arg4[%add3A_181, %dma_start3A_188] : memref<819200x64xf32, #tpu.memory_space<hbm>> -> memref<128x64xf32, #tpu.memory_space<hbm>>
    %dma_start3A_190 = tpu.memref_slice %arg9[%dma_start3A_183] : memref<2x!tpu.dma_semaphore, #tpu.memory_space<semaphore_mem>> -> memref<1x!tpu.dma_semaphore, #tpu.memory_space<semaphore_mem>>
    %dma_start3A_191 = tpu.memref_squeeze %dma_start3A_190 : memref<1x!tpu.dma_semaphore, #tpu.memory_space<semaphore_mem>> -> memref<!tpu.dma_semaphore, #tpu.memory_space<semaphore_mem>>
    %dma_start3A_192 = arith.constant 0 : i32
    %dma_start3A_193 = tpu.memref_slice %arg4[%add3A_181, %dma_start3A_192] : memref<819200x64xf32, #tpu.memory_space<hbm>> -> memref<128x64xf32, #tpu.memory_space<hbm>>
    %dma_start3A_194 = arith.constant 0 : i32
    %dma_start3A_195 = arith.constant 0 : i32
    %dma_start3A_196 = tpu.memref_slice %arg7[%dma_start3A_182, %dma_start3A_194, %dma_start3A_195] : memref<2x128x64xf32, #tpu.memory_space<vmem>> -> memref<1x128x64xf32, #tpu.memory_space<vmem>>
    %dma_start3A_197 = tpu.memref_squeeze %dma_start3A_196 : memref<1x128x64xf32, #tpu.memory_space<vmem>> -> memref<128x64xf32, #tpu.memory_space<vmem>>
    tpu.enqueue_dma source(%dma_start3A_197 : memref<128x64xf32, #tpu.memory_space<vmem>>) target(%dma_start3A_193 : memref<128x64xf32, #tpu.memory_space<hbm>>) target_semaphore(%dma_start3A_191 : memref<!tpu.dma_semaphore, #tpu.memory_space<semaphore_mem>>)
    %dma_wait3A_198 = arith.constant 1 : i32
    %dma_wait3A_199 = arith.constant 1 : i32
    %dma_wait3A_200 = arith.constant 0 : i32
    %dma_wait3A_201 = arith.constant 0 : i32
    %dma_wait3A_202 = tpu.memref_slice %arg6[%dma_wait3A_198, %dma_wait3A_200, %dma_wait3A_201] : memref<2x128x128xf32, #tpu.memory_space<vmem>> -> memref<1x128x128xf32, #tpu.memory_space<vmem>>
    %dma_wait3A_203 = tpu.memref_squeeze %dma_wait3A_202 : memref<1x128x128xf32, #tpu.memory_space<vmem>> -> memref<128x128xf32, #tpu.memory_space<vmem>>
    %dma_wait3A_204 = arith.constant 0 : i32
    %dma_wait3A_205 = arith.constant 0 : i32
    %dma_wait3A_206 = tpu.memref_slice %arg2[%dma_wait3A_204, %dma_wait3A_205] : memref<1000000x128xf32, #tpu.memory_space<hbm>> -> memref<128x128xf32, #tpu.memory_space<hbm>>
    %dma_wait3A_207 = tpu.memref_slice %arg8[%dma_wait3A_199] : memref<2x!tpu.dma_semaphore, #tpu.memory_space<semaphore_mem>> -> memref<1x!tpu.dma_semaphore, #tpu.memory_space<semaphore_mem>>
    %dma_wait3A_208 = tpu.memref_squeeze %dma_wait3A_207 : memref<1x!tpu.dma_semaphore, #tpu.memory_space<semaphore_mem>> -> memref<!tpu.dma_semaphore, #tpu.memory_space<semaphore_mem>>
    %dma_wait3A_209 = arith.constant 0 : i32
    %dma_wait3A_210 = arith.constant 0 : i32
    %dma_wait3A_211 = tpu.memref_slice %arg6[%dma_wait3A_198, %dma_wait3A_209, %dma_wait3A_210] : memref<2x128x128xf32, #tpu.memory_space<vmem>> -> memref<1x128x128xf32, #tpu.memory_space<vmem>>
    %dma_wait3A_212 = tpu.memref_squeeze %dma_wait3A_211 : memref<1x128x128xf32, #tpu.memory_space<vmem>> -> memref<128x128xf32, #tpu.memory_space<vmem>>
    %dma_wait3A_213 = arith.constant 0 : i32
    %dma_wait3A_214 = arith.constant 0 : i32
    %dma_wait3A_215 = tpu.memref_slice %arg2[%dma_wait3A_213, %dma_wait3A_214] : memref<1000000x128xf32, #tpu.memory_space<hbm>> -> memref<128x128xf32, #tpu.memory_space<hbm>>
    tpu.wait_dma2 semaphore(%dma_wait3A_208 : memref<!tpu.dma_semaphore, #tpu.memory_space<semaphore_mem>>) src(%dma_wait3A_215 : memref<128x128xf32, #tpu.memory_space<hbm>>) dst(%dma_wait3A_212 : memref<128x128xf32, #tpu.memory_space<vmem>>)
    %dma_wait3A_216 = arith.constant 1 : i32
    %dma_wait3A_217 = arith.constant 1 : i32
    %dma_wait3A_218 = arith.constant 0 : i32
    %dma_wait3A_219 = arith.constant 0 : i32
    %dma_wait3A_220 = tpu.memref_slice %arg7[%dma_wait3A_216, %dma_wait3A_218, %dma_wait3A_219] : memref<2x128x64xf32, #tpu.memory_space<vmem>> -> memref<1x128x64xf32, #tpu.memory_space<vmem>>
    %dma_wait3A_221 = tpu.memref_squeeze %dma_wait3A_220 : memref<1x128x64xf32, #tpu.memory_space<vmem>> -> memref<128x64xf32, #tpu.memory_space<vmem>>
    %dma_wait3A_222 = arith.constant 0 : i32
    %dma_wait3A_223 = arith.constant 0 : i32
    %dma_wait3A_224 = tpu.memref_slice %arg4[%dma_wait3A_222, %dma_wait3A_223] : memref<819200x64xf32, #tpu.memory_space<hbm>> -> memref<128x64xf32, #tpu.memory_space<hbm>>
    %dma_wait3A_225 = tpu.memref_slice %arg9[%dma_wait3A_217] : memref<2x!tpu.dma_semaphore, #tpu.memory_space<semaphore_mem>> -> memref<1x!tpu.dma_semaphore, #tpu.memory_space<semaphore_mem>>
    %dma_wait3A_226 = tpu.memref_squeeze %dma_wait3A_225 : memref<1x!tpu.dma_semaphore, #tpu.memory_space<semaphore_mem>> -> memref<!tpu.dma_semaphore, #tpu.memory_space<semaphore_mem>>
    %dma_wait3A_227 = arith.constant 0 : i32
    %dma_wait3A_228 = arith.constant 0 : i32
    %dma_wait3A_229 = tpu.memref_slice %arg4[%dma_wait3A_227, %dma_wait3A_228] : memref<819200x64xf32, #tpu.memory_space<hbm>> -> memref<128x64xf32, #tpu.memory_space<hbm>>
    %dma_wait3A_230 = arith.constant 0 : i32
    %dma_wait3A_231 = arith.constant 0 : i32
    %dma_wait3A_232 = tpu.memref_slice %arg7[%dma_wait3A_216, %dma_wait3A_230, %dma_wait3A_231] : memref<2x128x64xf32, #tpu.memory_space<vmem>> -> memref<1x128x64xf32, #tpu.memory_space<vmem>>
    %dma_wait3A_233 = tpu.memref_squeeze %dma_wait3A_232 : memref<1x128x64xf32, #tpu.memory_space<vmem>> -> memref<128x64xf32, #tpu.memory_space<vmem>>
    tpu.wait_dma2 semaphore(%dma_wait3A_226 : memref<!tpu.dma_semaphore, #tpu.memory_space<semaphore_mem>>) src(%dma_wait3A_233 : memref<128x64xf32, #tpu.memory_space<vmem>>) dst(%dma_wait3A_229 : memref<128x64xf32, #tpu.memory_space<hbm>>)
    %parallel_loop3A_234 = arith.constant 0 : i32
    %parallel_loop3A_235 = arith.constant 128 : i32
    %parallel_loop3A_236 = arith.constant 1 : i32
    %parallel_loop3A_237 = arith.constant 1 : i32
    %parallel_loop3A_238 = arith.constant 1 : i32
    scf.for %parallel_loop3A_293 = %parallel_loop3A_234 to %parallel_loop3A_235 step %parallel_loop3A_236  : i32 {
      %parallel_loop3A_294 = arith.constant 0 : i32
      %parallel_loop3A_295 = arith.constant 0 : i32
      %parallel_loop3A_296 = tpu.memref_slice %arg6[%parallel_loop3A_237, %parallel_loop3A_294, %parallel_loop3A_295] : memref<2x128x128xf32, #tpu.memory_space<vmem>> -> memref<1x128x128xf32, #tpu.memory_space<vmem>>
      %parallel_loop3A_297 = tpu.memref_squeeze %parallel_loop3A_296 : memref<1x128x128xf32, #tpu.memory_space<vmem>> -> memref<128x128xf32, #tpu.memory_space<vmem>>
      %parallel_loop3A_298 = arith.index_cast %parallel_loop3A_293 : i32 to index
      %parallel_loop3A_299 = arith.constant 0 : index
      %parallel_loop3A_300 = tpu.vector_load %parallel_loop3A_297[%parallel_loop3A_298, %parallel_loop3A_299] {strides = array<i32>} : memref<128x128xf32, #tpu.memory_space<vmem>>, vector<16xf32>,
      %parallel_loop3A_301 = arith.constant 8.000000e+00 : f32
      %parallel_loop3A_302 = vector.broadcast %parallel_loop3A_301 : f32 to vector<16xf32>
      %parallel_loop3A_303 = arith.mulf %parallel_loop3A_300, %parallel_loop3A_302 : vector<16xf32>
      %parallel_loop3A_304 = arith.constant 0 : i32
      %parallel_loop3A_305 = arith.constant 0 : i32
      %parallel_loop3A_306 = tpu.memref_slice %arg7[%parallel_loop3A_238, %parallel_loop3A_304, %parallel_loop3A_305] : memref<2x128x64xf32, #tpu.memory_space<vmem>> -> memref<1x128x64xf32, #tpu.memory_space<vmem>>
      %parallel_loop3A_307 = tpu.memref_squeeze %parallel_loop3A_306 : memref<1x128x64xf32, #tpu.memory_space<vmem>> -> memref<128x64xf32, #tpu.memory_space<vmem>>
      %parallel_loop3A_308 = arith.index_cast %parallel_loop3A_293 : i32 to index
      %parallel_loop3A_309 = arith.constant 0 : index
      %parallel_loop3A_310 = tpu.vector_load %parallel_loop3A_307[%parallel_loop3A_308, %parallel_loop3A_309] {strides = array<i32>} : memref<128x64xf32, #tpu.memory_space<vmem>>, vector<16xf32>,
      tpu.vector_store %parallel_loop3A_307[%parallel_loop3A_308, %parallel_loop3A_309], %parallel_loop3A_303 {strides = array<i32>} : memref<128x64xf32, #tpu.memory_space<vmem>>, vector<16xf32>,
      %parallel_loop3A_311 = arith.constant 0 : i32
      %parallel_loop3A_312 = arith.constant 0 : i32
      %parallel_loop3A_313 = tpu.memref_slice %arg6[%parallel_loop3A_237, %parallel_loop3A_311, %parallel_loop3A_312] : memref<2x128x128xf32, #tpu.memory_space<vmem>> -> memref<1x128x128xf32, #tpu.memory_space<vmem>>
      %parallel_loop3A_314 = tpu.memref_squeeze %parallel_loop3A_313 : memref<1x128x128xf32, #tpu.memory_space<vmem>> -> memref<128x128xf32, #tpu.memory_space<vmem>>
      %parallel_loop3A_315 = arith.index_cast %parallel_loop3A_293 : i32 to index
      %parallel_loop3A_316 = arith.constant 16 : index
      %parallel_loop3A_317 = tpu.vector_load %parallel_loop3A_314[%parallel_loop3A_315, %parallel_loop3A_316] {strides = array<i32>} : memref<128x128xf32, #tpu.memory_space<vmem>>, vector<16xf32>,
      %parallel_loop3A_318 = arith.constant 8.000000e+00 : f32
      %parallel_loop3A_319 = vector.broadcast %parallel_loop3A_318 : f32 to vector<16xf32>
      %parallel_loop3A_320 = arith.mulf %parallel_loop3A_317, %parallel_loop3A_319 : vector<16xf32>
      %parallel_loop3A_321 = arith.constant 0 : i32
      %parallel_loop3A_322 = arith.constant 0 : i32
      %parallel_loop3A_323 = tpu.memref_slice %arg7[%parallel_loop3A_238, %parallel_loop3A_321, %parallel_loop3A_322] : memref<2x128x64xf32, #tpu.memory_space<vmem>> -> memref<1x128x64xf32, #tpu.memory_space<vmem>>
      %parallel_loop3A_324 = tpu.memref_squeeze %parallel_loop3A_323 : memref<1x128x64xf32, #tpu.memory_space<vmem>> -> memref<128x64xf32, #tpu.memory_space<vmem>>
      %parallel_loop3A_325 = arith.index_cast %parallel_loop3A_293 : i32 to index
      %parallel_loop3A_326 = arith.constant 16 : index
      %parallel_loop3A_327 = tpu.vector_load %parallel_loop3A_324[%parallel_loop3A_325, %parallel_loop3A_326] {strides = array<i32>} : memref<128x64xf32, #tpu.memory_space<vmem>>, vector<16xf32>,
      tpu.vector_store %parallel_loop3A_324[%parallel_loop3A_325, %parallel_loop3A_326], %parallel_loop3A_320 {strides = array<i32>} : memref<128x64xf32, #tpu.memory_space<vmem>>, vector<16xf32>,
      %parallel_loop3A_328 = arith.constant 0 : i32
      %parallel_loop3A_329 = arith.constant 0 : i32
      %parallel_loop3A_330 = tpu.memref_slice %arg6[%parallel_loop3A_237, %parallel_loop3A_328, %parallel_loop3A_329] : memref<2x128x128xf32, #tpu.memory_space<vmem>> -> memref<1x128x128xf32, #tpu.memory_space<vmem>>
      %parallel_loop3A_331 = tpu.memref_squeeze %parallel_loop3A_330 : memref<1x128x128xf32, #tpu.memory_space<vmem>> -> memref<128x128xf32, #tpu.memory_space<vmem>>
      %parallel_loop3A_332 = arith.index_cast %parallel_loop3A_293 : i32 to index
      %parallel_loop3A_333 = arith.constant 32 : index
      %parallel_loop3A_334 = tpu.vector_load %parallel_loop3A_331[%parallel_loop3A_332, %parallel_loop3A_333] {strides = array<i32>} : memref<128x128xf32, #tpu.memory_space<vmem>>, vector<16xf32>,
      %parallel_loop3A_335 = arith.constant 8.000000e+00 : f32
      %parallel_loop3A_336 = vector.broadcast %parallel_loop3A_335 : f32 to vector<16xf32>
      %parallel_loop3A_337 = arith.mulf %parallel_loop3A_334, %parallel_loop3A_336 : vector<16xf32>
      %parallel_loop3A_338 = arith.constant 0 : i32
      %parallel_loop3A_339 = arith.constant 0 : i32
      %parallel_loop3A_340 = tpu.memref_slice %arg7[%parallel_loop3A_238, %parallel_loop3A_338, %parallel_loop3A_339] : memref<2x128x64xf32, #tpu.memory_space<vmem>> -> memref<1x128x64xf32, #tpu.memory_space<vmem>>
      %parallel_loop3A_341 = tpu.memref_squeeze %parallel_loop3A_340 : memref<1x128x64xf32, #tpu.memory_space<vmem>> -> memref<128x64xf32, #tpu.memory_space<vmem>>
      %parallel_loop3A_342 = arith.index_cast %parallel_loop3A_293 : i32 to index
      %parallel_loop3A_343 = arith.constant 32 : index
      %parallel_loop3A_344 = tpu.vector_load %parallel_loop3A_341[%parallel_loop3A_342, %parallel_loop3A_343] {strides = array<i32>} : memref<128x64xf32, #tpu.memory_space<vmem>>, vector<16xf32>,
      tpu.vector_store %parallel_loop3A_341[%parallel_loop3A_342, %parallel_loop3A_343], %parallel_loop3A_337 {strides = array<i32>} : memref<128x64xf32, #tpu.memory_space<vmem>>, vector<16xf32>,
      %parallel_loop3A_345 = arith.constant 0 : i32
      %parallel_loop3A_346 = arith.constant 0 : i32
      %parallel_loop3A_347 = tpu.memref_slice %arg6[%parallel_loop3A_237, %parallel_loop3A_345, %parallel_loop3A_346] : memref<2x128x128xf32, #tpu.memory_space<vmem>> -> memref<1x128x128xf32, #tpu.memory_space<vmem>>
      %parallel_loop3A_348 = tpu.memref_squeeze %parallel_loop3A_347 : memref<1x128x128xf32, #tpu.memory_space<vmem>> -> memref<128x128xf32, #tpu.memory_space<vmem>>
      %parallel_loop3A_349 = arith.index_cast %parallel_loop3A_293 : i32 to index
      %parallel_loop3A_350 = arith.constant 48 : index
      %parallel_loop3A_351 = tpu.vector_load %parallel_loop3A_348[%parallel_loop3A_349, %parallel_loop3A_350] {strides = array<i32>} : memref<128x128xf32, #tpu.memory_space<vmem>>, vector<16xf32>,
      %parallel_loop3A_352 = arith.constant 8.000000e+00 : f32
      %parallel_loop3A_353 = vector.broadcast %parallel_loop3A_352 : f32 to vector<16xf32>
      %parallel_loop3A_354 = arith.mulf %parallel_loop3A_351, %parallel_loop3A_353 : vector<16xf32>
      %parallel_loop3A_355 = arith.constant 0 : i32
      %parallel_loop3A_356 = arith.constant 0 : i32
      %parallel_loop3A_357 = tpu.memref_slice %arg7[%parallel_loop3A_238, %parallel_loop3A_355, %parallel_loop3A_356] : memref<2x128x64xf32, #tpu.memory_space<vmem>> -> memref<1x128x64xf32, #tpu.memory_space<vmem>>
      %parallel_loop3A_358 = tpu.memref_squeeze %parallel_loop3A_357 : memref<1x128x64xf32, #tpu.memory_space<vmem>> -> memref<128x64xf32, #tpu.memory_space<vmem>>
      %parallel_loop3A_359 = arith.index_cast %parallel_loop3A_293 : i32 to index
      %parallel_loop3A_360 = arith.constant 48 : index
      %parallel_loop3A_361 = tpu.vector_load %parallel_loop3A_358[%parallel_loop3A_359, %parallel_loop3A_360] {strides = array<i32>} : memref<128x64xf32, #tpu.memory_space<vmem>>, vector<16xf32>,
      tpu.vector_store %parallel_loop3A_358[%parallel_loop3A_359, %parallel_loop3A_360], %parallel_loop3A_354 {strides = array<i32>} : memref<128x64xf32, #tpu.memory_space<vmem>>, vector<16xf32>,
    } {sc.loop_unroll_factor = 4 : i64, sc.parallel_access}
    %add3A_239 = arith.constant 25472 : i32
    %add3A_240 = arith.addi %mul3A_2, %add3A_239 : i32
    %dma_start3A_241 = arith.constant 1 : i32
    %dma_start3A_242 = arith.constant 1 : i32
    %dma_start3A_243 = arith.constant 0 : i32
    %dma_start3A_244 = arith.constant 0 : i32
    %dma_start3A_245 = tpu.memref_slice %arg7[%dma_start3A_241, %dma_start3A_243, %dma_start3A_244] : memref<2x128x64xf32, #tpu.memory_space<vmem>> -> memref<1x128x64xf32, #tpu.memory_space<vmem>>
    %dma_start3A_246 = tpu.memref_squeeze %dma_start3A_245 : memref<1x128x64xf32, #tpu.memory_space<vmem>> -> memref<128x64xf32, #tpu.memory_space<vmem>>
    %dma_start3A_247 = arith.constant 0 : i32
    %dma_start3A_248 = tpu.memref_slice %arg4[%add3A_240, %dma_start3A_247] : memref<819200x64xf32, #tpu.memory_space<hbm>> -> memref<128x64xf32, #tpu.memory_space<hbm>>
    %dma_start3A_249 = tpu.memref_slice %arg9[%dma_start3A_242] : memref<2x!tpu.dma_semaphore, #tpu.memory_space<semaphore_mem>> -> memref<1x!tpu.dma_semaphore, #tpu.memory_space<semaphore_mem>>
    %dma_start3A_250 = tpu.memref_squeeze %dma_start3A_249 : memref<1x!tpu.dma_semaphore, #tpu.memory_space<semaphore_mem>> -> memref<!tpu.dma_semaphore, #tpu.memory_space<semaphore_mem>>
    %dma_start3A_251 = arith.constant 0 : i32
    %dma_start3A_252 = tpu.memref_slice %arg4[%add3A_240, %dma_start3A_251] : memref<819200x64xf32, #tpu.memory_space<hbm>> -> memref<128x64xf32, #tpu.memory_space<hbm>>
    %dma_start3A_253 = arith.constant 0 : i32
    %dma_start3A_254 = arith.constant 0 : i32
    %dma_start3A_255 = tpu.memref_slice %arg7[%dma_start3A_241, %dma_start3A_253, %dma_start3A_254] : memref<2x128x64xf32, #tpu.memory_space<vmem>> -> memref<1x128x64xf32, #tpu.memory_space<vmem>>
    %dma_start3A_256 = tpu.memref_squeeze %dma_start3A_255 : memref<1x128x64xf32, #tpu.memory_space<vmem>> -> memref<128x64xf32, #tpu.memory_space<vmem>>
    tpu.enqueue_dma source(%dma_start3A_256 : memref<128x64xf32, #tpu.memory_space<vmem>>) target(%dma_start3A_252 : memref<128x64xf32, #tpu.memory_space<hbm>>) target_semaphore(%dma_start3A_250 : memref<!tpu.dma_semaphore, #tpu.memory_space<semaphore_mem>>)
    %dma_wait3A_257 = arith.constant 0 : i32
    %dma_wait3A_258 = arith.constant 0 : i32
    %dma_wait3A_259 = arith.constant 0 : i32
    %dma_wait3A_260 = arith.constant 0 : i32
    %dma_wait3A_261 = tpu.memref_slice %arg7[%dma_wait3A_257, %dma_wait3A_259, %dma_wait3A_260] : memref<2x128x64xf32, #tpu.memory_space<vmem>> -> memref<1x128x64xf32, #tpu.memory_space<vmem>>
    %dma_wait3A_262 = tpu.memref_squeeze %dma_wait3A_261 : memref<1x128x64xf32, #tpu.memory_space<vmem>> -> memref<128x64xf32, #tpu.memory_space<vmem>>
    %dma_wait3A_263 = arith.constant 0 : i32
    %dma_wait3A_264 = arith.constant 0 : i32
    %dma_wait3A_265 = tpu.memref_slice %arg4[%dma_wait3A_263, %dma_wait3A_264] : memref<819200x64xf32, #tpu.memory_space<hbm>> -> memref<128x64xf32, #tpu.memory_space<hbm>>
    %dma_wait3A_266 = tpu.memref_slice %arg9[%dma_wait3A_258] : memref<2x!tpu.dma_semaphore, #tpu.memory_space<semaphore_mem>> -> memref<1x!tpu.dma_semaphore, #tpu.memory_space<semaphore_mem>>
    %dma_wait3A_267 = tpu.memref_squeeze %dma_wait3A_266 : memref<1x!tpu.dma_semaphore, #tpu.memory_space<semaphore_mem>> -> memref<!tpu.dma_semaphore, #tpu.memory_space<semaphore_mem>>
    %dma_wait3A_268 = arith.constant 0 : i32
    %dma_wait3A_269 = arith.constant 0 : i32
    %dma_wait3A_270 = tpu.memref_slice %arg4[%dma_wait3A_268, %dma_wait3A_269] : memref<819200x64xf32, #tpu.memory_space<hbm>> -> memref<128x64xf32, #tpu.memory_space<hbm>>
    %dma_wait3A_271 = arith.constant 0 : i32
    %dma_wait3A_272 = arith.constant 0 : i32
    %dma_wait3A_273 = tpu.memref_slice %arg7[%dma_wait3A_257, %dma_wait3A_271, %dma_wait3A_272] : memref<2x128x64xf32, #tpu.memory_space<vmem>> -> memref<1x128x64xf32, #tpu.memory_space<vmem>>
    %dma_wait3A_274 = tpu.memref_squeeze %dma_wait3A_273 : memref<1x128x64xf32, #tpu.memory_space<vmem>> -> memref<128x64xf32, #tpu.memory_space<vmem>>
    tpu.wait_dma2 semaphore(%dma_wait3A_267 : memref<!tpu.dma_semaphore, #tpu.memory_space<semaphore_mem>>) src(%dma_wait3A_274 : memref<128x64xf32, #tpu.memory_space<vmem>>) dst(%dma_wait3A_270 : memref<128x64xf32, #tpu.memory_space<hbm>>)
    %dma_wait3A_275 = arith.constant 1 : i32
    %dma_wait3A_276 = arith.constant 1 : i32
    %dma_wait3A_277 = arith.constant 0 : i32
    %dma_wait3A_278 = arith.constant 0 : i32
    %dma_wait3A_279 = tpu.memref_slice %arg7[%dma_wait3A_275, %dma_wait3A_277, %dma_wait3A_278] : memref<2x128x64xf32, #tpu.memory_space<vmem>> -> memref<1x128x64xf32, #tpu.memory_space<vmem>>
    %dma_wait3A_280 = tpu.memref_squeeze %dma_wait3A_279 : memref<1x128x64xf32, #tpu.memory_space<vmem>> -> memref<128x64xf32, #tpu.memory_space<vmem>>
    %dma_wait3A_281 = arith.constant 0 : i32
    %dma_wait3A_282 = arith.constant 0 : i32
    %dma_wait3A_283 = tpu.memref_slice %arg4[%dma_wait3A_281, %dma_wait3A_282] : memref<819200x64xf32, #tpu.memory_space<hbm>> -> memref<128x64xf32, #tpu.memory_space<hbm>>
    %dma_wait3A_284 = tpu.memref_slice %arg9[%dma_wait3A_276] : memref<2x!tpu.dma_semaphore, #tpu.memory_space<semaphore_mem>> -> memref<1x!tpu.dma_semaphore, #tpu.memory_space<semaphore_mem>>
    %dma_wait3A_285 = tpu.memref_squeeze %dma_wait3A_284 : memref<1x!tpu.dma_semaphore, #tpu.memory_space<semaphore_mem>> -> memref<!tpu.dma_semaphore, #tpu.memory_space<semaphore_mem>>
    %dma_wait3A_286 = arith.constant 0 : i32
    %dma_wait3A_287 = arith.constant 0 : i32
    %dma_wait3A_288 = tpu.memref_slice %arg4[%dma_wait3A_286, %dma_wait3A_287] : memref<819200x64xf32, #tpu.memory_space<hbm>> -> memref<128x64xf32, #tpu.memory_space<hbm>>
    %dma_wait3A_289 = arith.constant 0 : i32
    %dma_wait3A_290 = arith.constant 0 : i32
    %dma_wait3A_291 = tpu.memref_slice %arg7[%dma_wait3A_275, %dma_wait3A_289, %dma_wait3A_290] : memref<2x128x64xf32, #tpu.memory_space<vmem>> -> memref<1x128x64xf32, #tpu.memory_space<vmem>>
    %dma_wait3A_292 = tpu.memref_squeeze %dma_wait3A_291 : memref<1x128x64xf32, #tpu.memory_space<vmem>> -> memref<128x64xf32, #tpu.memory_space<vmem>>
    tpu.wait_dma2 semaphore(%dma_wait3A_285 : memref<!tpu.dma_semaphore, #tpu.memory_space<semaphore_mem>>) src(%dma_wait3A_292 : memref<128x64xf32, #tpu.memory_space<vmem>>) dst(%dma_wait3A_288 : memref<128x64xf32, #tpu.memory_space<hbm>>)
    return
  }
}

</mosaic_0001>

<sc_bundles>
// kernel: kernel.3.cloned.1.call-start
scs
__scs_entry_jumppad:
0x0: {  	(pc) =	sbr.rel $0x88, $3  }
0x1: {  	(tag) =	ssettag $0x0;
	lr =	simm.s32 $0x1  }
0x2: {  	[smem:$0x3F9F] =	sst lr;
	_ =	strace $0xD0000000  }
0x3: {  	_ = 	snop  }
0x4: {  	_ = 	snop  }
0x5: {  	_ = 	snop  }
0x6: {  	_ = 	snop  }
0x7: {  	_ = 	snop  }
__scs_overlays_trampoline_lowered:
0x8: {  	[smem:$0x3FAE] =	sst s0  }
0x9: {  	[smem:$0x3FAF] =	sst s1  }
0xa: {  	[smem:$0x3FB0] =	sst s2  }
0xb: {  	[smem:$0x3FB1] =	sst s3  }
0xc: {  	[smem:$0x3FB2] =	sst s4  }
0xd: {  	[smem:$0x3FB3] =	sst s5  }
0xe: {  	[smem:$0x3FB4] =	sst s6  }
0xf: {  	[smem:$0x3FB5] =	sst s7  }
0x10: {  	[smem:$0x3FB6] =	sst s8  }
0x11: {  	[smem:$0x3FB7] =	sst s9;
	s0 =	simm.s32 @!p0 $0x0  }
0x12: {  	s1 =	sld [smem:$0x3F9D];
	s0 =	simm.s32 @p0 $0x1  }
0x13: {  	[smem:$0x3FB8] =	sst s0;
	s0 =	simm.s32 @!p1 $0x0  }
0x14: {  	s2 =	sld [smem:$0x3F9C];
	s0 =	simm.s32 @p1 $0x1  }
0x15: {  	[smem:$0x3FB9] =	sst s0;
	s0 =	simm.s32 @!p2 $0x0  }
0x16: {  	s3 =	sld [smem:$0x3FDB];
	s0 =	simm.s32 @p2 $0x1  }
0x17: {  	s4 =	simm.s32 $0x1BF5;
	[smem:$0x3FBB] =	sst s0  }
0x18: {  	s0 =	sld [smem:$0x3F9E];
	_ =	swait.ge [sflag:s4], $0x0  }
0x19: {  	s7 =	sld [smem:$0x3F9F]  }
0x1a: {  	s8 =	sadd.s32 $0xFFFFE003, lr  }
0x1b: {  	s9 =	sadd.s32 $0xFFFFFEF7, lr;
	s5 =	simm.s32 $0xFFFFFFFF;
	p2 =	slt.u32 s8, $0xFFFFF086  }
0x1c: {  	p1 =	slt.u32 s9, $0xF7A;
	s5 =	simm.s32 @!p2 $0x0  }
0x1d: {  	s5 =	simm.s32 @p1 $0x1;
	p0 =	seq.s32 s7, s2  }
0x1e: {  	s7 =	smul.u32 @!p0 $0xF7A, s2;
	p2 =	seq.s32 @!p0 s5, $0x0  }
0x1f: {  	s9 =	smul.u32 $0xF7A, s1;
	s8 =	simm.s32 @!p0 $0x1BF5;
	p2 =	por !p2, p0  }
0x20: {  	[sflag:s8] =	ssyncset.s32 @!p0 $0xFFFFF086;
	s6 =	sadd.s32 @!p0 s3, s7;
	s7 =	simm.s32 @!p0 $0x108  }
0x21: {  	s3 =	sadd.s32 s3, s9;
	s6 =	sadd.s32 @!p0 $0x88, s6;
	s7 =	simm.s32 @p2 $0x1082  }
0x22: {  	[simem:s7], [sflag:s8] =	dma.local @!p0 [hbm:s6], $0xF7A  }
0x23: {  	s9 =	sor.u32 $0xD0000000, s2;
	s6 =	simm.s32 $0x108;
	_ =	swait.ge @!p0 [sflag:s8], $0x0  }
0x24: {  	s3 =	sadd.s32 $0x88, s3;
	s6 =	simm.s32 @!p1 $0x1082;
	[sflag:s4] =	ssyncset.s32 $0xFFFFF086  }
0x25: {  	[simem:s6], [sflag:s4] =	dma.local [hbm:s3], $0xF7A  }
0x26: {  	[smem:$0x3F9F] =	sst s1;
	(tag) =	ssettag s2;
	_ =	strace s9  }
0x27: {  	s1 =	sld [smem:$0x3FAF]  }
0x28: {  	s2 =	sld [smem:$0x3FB0]  }
0x29: {  	s4 =	sld [smem:$0x3FB2]  }
0x2a: {  	p0 =	seq.s32 s5, $0x0;
	s5 =	sld [smem:$0x3FB3]  }
0x2b: {  	s6 =	sld [smem:$0x3FB4]  }
0x2c: {  	s7 =	sld [smem:$0x3FB5]  }
0x2d: {  	s3 =	simm.s32 $0x108;
	s8 =	sld [smem:$0x3FB6]  }
0x2e: {  	s3 =	simm.s32 @!p0 $0x1082;
	s9 =	sld [smem:$0x3FB7]  }
0x2f: {  	lr =	sadd.s32 s0, s3;
	s0 =	sld [smem:$0x3FAE]  }
0x30: {  	s3 =	sld [smem:$0x3FB1]  }
0x31: {  	[smem:$0x3FBA] =	sst s10  }
0x32: {  	s10 =	sld [smem:$0x3FB8];
	_ =	sdelay $0x3  }
0x33: {  	p0 =	seq.s32 s10, $0x1;
	s10 =	sld [smem:$0x3FBA];
	_ =	sdelay $0x3  }
0x34: {  	[smem:$0x3FBA] =	sst s10  }
0x35: {  	s10 =	sld [smem:$0x3FB9];
	_ =	sdelay $0x3  }
0x36: {  	p1 =	seq.s32 s10, $0x1;
	s10 =	sld [smem:$0x3FBA];
	_ =	sdelay $0x3  }
0x37: {  	[smem:$0x3FBA] =	sst s10  }
0x38: {  	s10 =	sld [smem:$0x3FBB]  }
0x39: {  	_ = 	snop;
	(pc) =	sbr.ind lr, $3  }
0x3a: {  	_ = 	snop  }
0x3b: {  	_ = 	snop  }
0x3c: {  	p2 =	seq.s32 s10, $0x1;
	s10 =	sld [smem:$0x3FBA]  }
0x3d: {  	_ =	shalt  }
0x3e: {  	_ =	shalt  }
0x3f: {  	_ =	shalt  }
0x40: {  	_ =	shalt  }
0x41: {  	_ =	shalt  }
0x42: {  	_ =	shalt  }
0x43: {  	_ =	shalt  }
0x44: {  	_ =	shalt  }
0x45: {  	_ =	shalt  }
0x46: {  	_ =	shalt  }
0x47: {  	_ =	shalt  }
0x48: {  	_ =	shalt  }
0x49: {  	_ =	shalt  }
0x4a: {  	_ =	shalt  }
0x4b: {  	_ =	shalt  }
0x4c: {  	_ =	shalt  }
0x4d: {  	_ =	shalt  }
0x4e: {  	_ =	shalt  }
0x4f: {  	_ =	shalt  }
0x50: {  	_ =	shalt  }
0x51: {  	_ =	shalt  }
0x52: {  	_ =	shalt  }
0x53: {  	_ =	shalt  }
0x54: {  	_ =	shalt  }
0x55: {  	_ =	shalt  }
0x56: {  	_ =	shalt  }
0x57: {  	_ =	shalt  }
0x58: {  	_ =	shalt  }
0x59: {  	_ =	shalt  }
0x5a: {  	_ =	shalt  }
0x5b: {  	_ =	shalt  }
0x5c: {  	_ =	shalt  }
0x5d: {  	_ =	shalt  }
0x5e: {  	_ =	shalt  }
0x5f: {  	_ =	shalt  }
0x60: {  	_ =	shalt  }
0x61: {  	_ =	shalt  }
0x62: {  	_ =	shalt  }
0x63: {  	_ =	shalt  }
0x64: {  	_ =	shalt  }
0x65: {  	_ =	shalt  }
0x66: {  	_ =	shalt  }
0x67: {  	_ =	shalt  }
0x68: {  	_ =	shalt  }
0x69: {  	_ =	shalt  }
0x6a: {  	_ =	shalt  }
0x6b: {  	_ =	shalt  }
0x6c: {  	_ =	shalt  }
0x6d: {  	_ =	shalt  }
0x6e: {  	_ =	shalt  }
0x6f: {  	_ =	shalt  }
0x70: {  	_ =	shalt  }
0x71: {  	_ =	shalt  }
0x72: {  	_ =	shalt  }
0x73: {  	_ =	shalt  }
0x74: {  	_ =	shalt  }
0x75: {  	_ =	shalt  }
0x76: {  	_ =	shalt  }
0x77: {  	_ =	shalt  }
0x78: {  	_ =	shalt  }
0x79: {  	_ =	shalt  }
0x7a: {  	_ =	shalt  }
0x7b: {  	_ =	shalt  }
0x7c: {  	_ =	shalt  }
0x7d: {  	_ =	shalt  }
0x7e: {  	_ =	shalt  }
0x7f: {  	_ =	shalt  }
0x80: {  	_ =	shalt  }
0x81: {  	_ =	shalt  }
0x82: {  	_ =	shalt  }
0x83: {  	_ =	shalt  }
0x84: {  	_ =	shalt  }
0x85: {  	_ =	shalt  }
0x86: {  	_ =	shalt  }
0x87: {  	_ =	shalt  }
.Lfunc_end0:
.L_simem_size_0:
called_computation.1_lowered:
.L_overlay_start_0:
0x88: {  	s2 =	sld [smem:$0x3FD9]  }
0x89: {  	s3 =	sld [smem:$0x3FFE];
	_ =	sdelay $0x1  }
0x8a: {  	s1 =	srdreg.scid  }
0x8b: {  	s0 =	sand.u32 $0x1, s1  }
0x8c: {  	s17 =	sshll.u32 s0, $0xA;
	s2 =	sadd.s32 s3, s2  }
0x8d: {  	s2 =	sadd.s32 s2, s17  }
0x8e: {  	[smem:$0x3FC6] =	sst s2  }
0x8f: {  	_ = 	snop  }
0x90: {  	s2 =	sld [smem:$0x3FD0];
	(tm) =	ssettm $0x1  }
0x91: {  	s18 =	sld [smem:$0x3FFB];
	_ =	sdelay $0x3  }
0x92: {  	_ =	strace s18  }
0x93: {  	s3 =	sld [smem:$0x3FFC];
	_ =	sdelay $0x3  }
0x94: {  	_ =	strace s3  }
0x95: {  	s3 =	sld [smem:$0x3FFD];
	_ =	sdelay $0x3  }
0x96: {  	_ =	strace s3  }
0x97: {  	_ =	strace $0x8FFFFFFF  }
0x98: {  	s19 =	sld [smem:$0x3FDB];
	_ =	sdelay $0x1  }
0x99: {  	s4 =	simm.s32 $_scs_section_size  }
0x9a: {  	s5 =	simm.s32 $_size__tile_overlayer_lowered;
	s6 =	simm.s32 $_tile_overlayer_lowered  }
0x9b: {  	s22 =	simm.s32 $0x1BFF;
	s21 =	sshll.u32 s6, $0x1;
	s3 =	sadd.s32 s4, s19  }
0x9c: {  	s7 =	simm.s32 $0x0;
	s20 =	sshll.u32 s5, $0x1;
	s5 =	sadd.s32 s21, s3  }
0x9d: {  	[timem:s7], [sflag:s22] =	dma.local [hbm:s5], s20  }
0x9e: {  	_ =	swait.ge [sflag:s22], s20  }
0x9f: {  	s4 =	ssub.s32 $0x0, s20;
	[sflag:s22] =	ssyncset.done $0x0  }
0xa0: {  	[sflag:s22] =	ssyncadd.s32 s4;
	_ =	sdelay $0x1  }
0xa1: {  	s23 =	simm.s32 $0x1B8B  }
0xa2: {  	_ =	swait.ge [sflag:s23], $0x1  }
0xa3: {  	[sflag:s23] =	ssyncset.done $0x0  }
0xa4: {  	s25 =	simm.s32 $0x1B8E;
	s24 =	sld [smem:$0x3FFE];
	[sflag:s23] =	ssyncadd.s32 $0xFFFFFFFF  }
0xa5: {  	s26 =	simm.s32 $execute0_lowered;
	[smem:$0x3FD2] =	sst s25  }
0xa6: {  	s5 =	sshll.u32 s26, $0x1;
	_ =	strace $0x80000046;
	[dreg:$0x1] =	wrdreg $0xFFFFFFFF  }
0xa7: {  	s28 =	simm.s32 $_size_execute0_lowered;
	s3 =	sadd.s32 s3, s5;
	[dreg:$0x0] =	wrdreg $0x0  }
0xa8: {  	s5 =	sshll.u32 s28, $0x1;
	[dreg:$0x2] =	wrdreg s3  }
0xa9: {  	[dreg:$0x3] =	wrdreg s5  }
0xaa: {  	[dreg:$0x4] =	wrdreg $0xC0  }
0xab: {  	_ =	task [dreg:s7], $0x5FFFF  }
0xac: {  	[dreg:$0x1] =	wrdreg $0xFFFFFFFF  }
0xad: {  	[dreg:$0x0] =	wrdreg $0x60  }
0xae: {  	[dreg:$0x2] =	wrdreg s24  }
0xaf: {  	[dreg:$0x3] =	wrdreg s2  }
0xb0: {  	[dreg:$0x4] =	wrdreg $0x9  }
0xb1: {  	_ =	task.clear_ibuf [dreg:s7], $0x5FFFF;
	_ =	strace $0x90000046  }
0xb2: {  	s29 =	simm.s32 $0x9;
	_ =	strace $0x80000048  }
0xb3: {  	_ =	swait.ge [sflag:s29], $0x1  }
0xb4: {  	[sflag:s29] =	ssyncadd.s32 $0xFFFFFFFF  }
0xb5: {  	_ =	strace $0x90000048  }
0xb6: {  	_ =	sfence  }
0xb7: {  	s30 =	sld [smem:$0x0];
	_ =	sdelay $0x2  }
0xb8: {  	s31 =	sshll.u32 s1, $0xD;
	s1 =	sshrl.u32 s1, $0x2  }
0xb9: {  	s3 =	sand.u32 $0x4000, s31;
	s1 =	sadd.s32 s1, s30  }
0xba: {  	s0 =	sor.u32 s3, s0;
	s1 =	sshll.u32 s1, $0x11  }
0xbb: {  	s0 =	sor.u32 s1, s0  }
0xbc: {  	s0 =	sadd.s32 $0x8F2B, s0  }
0xbd: {  	[sflag:s0] =	ssyncadd.remote.s32 $0x1  }
0xbe: {  	_ =	sfence.sel $0xFFFF  }
0xbf: {  	[dreg:$0x0] =	wrdreg $0xFFFFFFFF;
	(pc) =	sbr.abs _section_cstart, $3  }
0xc0: {  	[dreg:$0x1] =	wrdreg $0xFFFFFFFF  }
0xc1: {  	_ =	task.clear_ibuf [dreg:s7], $0x2FFFF;
	_ =	strace $0x9FFFFFFF  }
0xc2: {  	(tm) =	ssettm $0x7FFFFFFF  }
0xc3: {  	_ =	shalt  }
tec
execute0_lowered:
.L_overlay_start_1:
0x0: {  	(tag) =	ssettag $0x1  }
0x1: {  	s0 =	rddreg [dreg:$0x0]  }
0x2: {  	s7 =	rddreg [dreg:$0x1];
	s2 =	simm.s32 $0x0  }
0x3: {  	s3 =	srdreg.scid;
	s1 =	stileid.u32;
	s12 =	simm.s32 $0x5  }
0x4: {  	s13 =	simm.s32 $0x80;
	s14 =	simm.s32 $0x6400;
	s15 =	simm.s32 $0xA400  }
0x5: {  	s16 =	simm.s32 $0x1;
	s17 =	simm.s32 $0x100;
	s18 =	simm.s32 $0xE400  }
0x6: {  	s19 =	simm.s32 $0x2;
	s20 =	simm.s32 $0x180;
	s21 =	simm.s32 $0x12400  }
0x7: {  	s22 =	simm.s32 $0x3;
	s6 =	sand.u32 $0x1, s3;
	s29 =	sshll.u32 s1, $0x1  }
0x8: {  	s23 =	simm.s32 $0x4;
	s24 =	simm.s32 $0x0;
	s8 =	sor.u32 s6, s29  }
0x9: {  	[smem:$0x7FF] =	sst s2;
	s3 =	sadd.s32 $0xF42E00, s0;
	s4 =	smul.u32 $0x320000, s8  }
0xa: {  	s5 =	sadd.s32 $0xA00, s0;
	s30 =	ssub.s32 $0x2, s6;
	s31 =	smul.u32 $0x64000, s8  }
0xb: {  	_ =	strace $0x80000047;
	s9 =	sshrl.u32 s30, $0x1;
	s8 =	smul.u32 $0xC80, s8  }
0xc: {  	s0 =	ssub.s32 s30, s9;
	s10 =	sshrl.u32 s4, $0x3;
	s6 =	sadd.s32 s5, s31  }
0xd: {  	s7 =	sadd.s32 s7, s8;
	s11 =	smax.u32 s0, $0x1;
	s10 =	sadd.s32 s5, s10  }
0xe: {  	s8 =	sadd.s32 $0x800, s6;
	s9 =	sadd.s32 $0x63000, s10;
	s10 =	sadd.s32 $0x63800, s10  }
.LBB2_1:
0xf: {  	[tilespmem:s2], [sflag:$0x5] =	stream.linear.gather [hbm4b:s7+s2], $0x6400, $0x38;
	[tilespmem:$0x16400] =	vst v63  }
0x10: {  	_ =	swait.ge [sflag:s12], $0x6400  }
0x11: {  	[sflag:s12] =	ssyncset.done $0x0  }
0x12: {  	[sflag:s12] =	ssyncadd.s32 $0xFFFF9C00  }
0x13: {  	[tilespmem:s14], [sflag:$0x1] =	stream.indirect.gather [hbm4b:s3+s13], $0x80, s2, s13, $0xb8;
	[tilespmem:$0x16400] =	vst v63  }
0x14: {  	_ = 	snop  }
0x15: {  	[tilespmem:s15], [sflag:$0x2] =	stream.indirect.gather [hbm4b:s3+s13], $0x80, s13, s13, $0xb8;
	[tilespmem:$0x16400] =	vst v63  }
0x16: {  	_ =	swait.ge [sflag:s16], $0x4000  }
0x17: {  	[sflag:s16] =	ssyncset.done $0x0  }
0x18: {  	s31 =	simm.s32 $0x6500;
	[sflag:s16] =	ssyncadd.s32 $0xFFFFC000  }
0x19: {  	v0 =	vld [tilespmem:s31+$0x80];
	_ =	sdelay $0x3  }
0x1a: {  	v1 =	vld [tilespmem:s31+$0xFFFFFF00]  }
0x1b: {  	v2 =	vld [tilespmem:s31+$0xFFFFFF80];
	v0 =	vmul.f32 $8.000000000e+00, v0  }
0x1c: {  	s25 =	simm.s32 $0xE500;
	v3 =	vld [tilespmem:s31+$0x0]  }
0x1d: {  	[tilespmem:s25+$0x80] =	vst v0  }
0x1e: {  	v0 =	vld [tilespmem:s31+$0x90]  }
0x1f: {  	v1 =	vmul.f32 $8.000000000e+00, v1  }
0x20: {  	v2 =	vmul.f32 $8.000000000e+00, v2  }
0x21: {  	v3 =	vmul.f32 $8.000000000e+00, v3;
	[tilespmem:s25+$0xFFFFFF00] =	vst v1  }
0x22: {  	[tilespmem:s25+$0xFFFFFF80] =	vst v2;
	v1 =	vld [tilespmem:s31+$0xFFFFFF10]  }
0x23: {  	[tilespmem:s25+$0x0] =	vst v3;
	v2 =	vld [tilespmem:s31+$0xFFFFFF90];
	v0 =	vmul.f32 $8.000000000e+00, v0  }
0x24: {  	s26 =	simm.s32 $0x6700;
	v3 =	vld [tilespmem:s31+$0x10]  }
0x25: {  	[tilespmem:s25+$0x90] =	vst v0;
	v0 =	vld [tilespmem:s26+$0x80]  }
0x26: {  	v4 =	vld [tilespmem:s31+$0xA0]  }
0x27: {  	v5 =	vld [tilespmem:s26+$0xFFFFFF80];
	v1 =	vmul.f32 $8.000000000e+00, v1  }
0x28: {  	v6 =	vld [tilespmem:s26+$0x0];
	v2 =	vmul.f32 $8.000000000e+00, v2  }
0x29: {  	v3 =	vmul.f32 $8.000000000e+00, v3;
	[tilespmem:s25+$0xFFFFFF10] =	vst v1;
	v1 =	vld [tilespmem:s26+$0xFFFFFF00]  }
0x2a: {  	[tilespmem:s25+$0xFFFFFF90] =	vst v2;
	v2 =	vld [tilespmem:s31+$0xFFFFFF20];
	v0 =	vmul.f32 $8.000000000e+00, v0  }
0x2b: {  	s28 =	simm.s32 $0xE700;
	[tilespmem:s25+$0x10] =	vst v3;
	v7 =	vld [tilespmem:s31+$0xFFFFFFA0];
	v3 =	vmul.f32 $8.000000000e+00, v4  }
0x2c: {  	v4 =	vmul.f32 $8.000000000e+00, v5;
	[tilespmem:s28+$0x80] =	vst v0;
	v0 =	vld [tilespmem:s31+$0x20]  }
0x2d: {  	v5 =	vmul.f32 $8.000000000e+00, v6;
	v6 =	vld [tilespmem:s26+$0x90];
	[tilespmem:s25+$0xA0] =	vst v3  }
0x2e: {  	v1 =	vmul.f32 $8.000000000e+00, v1;
	[tilespmem:s28+$0xFFFFFF80] =	vst v4;
	v8 =	vld [tilespmem:s31+$0xB0]  }
0x2f: {  	v2 =	vmul.f32 $8.000000000e+00, v2;
	[tilespmem:s28+$0x0] =	vst v5;
	v9 =	vld [tilespmem:s26+$0xFFFFFF90]  }
0x30: {  	[tilespmem:s28+$0xFFFFFF00] =	vst v1;
	v5 =	vmul.f32 $8.000000000e+00, v7;
	v3 =	vld [tilespmem:s26+$0x10]  }
0x31: {  	v4 =	vld [tilespmem:s26+$0xFFFFFF10];
	[tilespmem:s25+$0xFFFFFF20] =	vst v2;
	v2 =	vmul.f32 $8.000000000e+00, v0  }
0x32: {  	v1 =	vld [tilespmem:s31+$0xFFFFFF30];
	[tilespmem:s25+$0xFFFFFFA0] =	vst v5;
	v7 =	vmul.f32 $8.000000000e+00, v6  }
0x33: {  	v0 =	vld [tilespmem:s31+$0xFFFFFFB0];
	[tilespmem:s25+$0x20] =	vst v2;
	v5 =	vmul.f32 $8.000000000e+00, v8  }
0x34: {  	s29 =	simm.s32 $0x4;
	s30 =	simm.s32 $0x6900;
	v6 =	vmul.f32 $8.000000000e+00, v9;
	[tilespmem:s28+$0x90] =	vst v7;
	v2 =	vld [tilespmem:s31+$0x30]  }
.LBB2_2:
0x35: {  	v7 =	vld [tilespmem:s30+$0x80];
	v3 =	vmul.f32 $8.000000000e+00, v3;
	[tilespmem:s25+$0xB0] =	vst v5  }
0x36: {  	s29 =	sadd.s32 $0x4, s29;
	v4 =	vmul.f32 $8.000000000e+00, v4;
	[tilespmem:s28+$0xFFFFFF90] =	vst v6;
	v5 =	vld [tilespmem:s26+$0xA0]  }
0x37: {  	p0 =	slt.u32 s29, $0x7C;
	v6 =	vld [tilespmem:s30+$0xFFFFFF80];
	[tilespmem:s28+$0x10] =	vst v3;
	v1 =	vmul.f32 $8.000000000e+00, v1  }
0x38: {  	v3 =	vld [tilespmem:s30+$0x0];
	[tilespmem:s28+$0xFFFFFF10] =	vst v4;
	v0 =	vmul.f32 $8.000000000e+00, v0  }
0x39: {  	v4 =	vld [tilespmem:s30+$0xFFFFFF00];
	[tilespmem:s25+$0xFFFFFF30] =	vst v1;
	v1 =	vmul.f32 $8.000000000e+00, v2  }
0x3a: {  	v2 =	vmul.f32 $8.000000000e+00, v7;
	v7 =	vld [tilespmem:s26+$0xFFFFFF20];
	[tilespmem:s25+$0xFFFFFFB0] =	vst v0  }
0x3b: {  	v0 =	vld [tilespmem:s26+$0xFFFFFFA0];
	v5 =	vmul.f32 $8.000000000e+00, v5;
	[tilespmem:s25+$0x30] =	vst v1;
	s25 =	smov.u32 s28;
	s28 =	sadd.s32 $0x200, s28  }
0x3c: {  	v1 =	vmul.f32 $8.000000000e+00, v6;
	[tilespmem:s28+$0x80] =	vst v2;
	v2 =	vld [tilespmem:s26+$0x20]  }
0x3d: {  	v3 =	vmul.f32 $8.000000000e+00, v3;
	v6 =	vld [tilespmem:s30+$0x90];
	[tilespmem:s25+$0xA0] =	vst v5  }
0x3e: {  	v4 =	vmul.f32 $8.000000000e+00, v4;
	[tilespmem:s28+$0xFFFFFF80] =	vst v1;
	v5 =	vld [tilespmem:s26+$0xB0]  }
0x3f: {  	v8 =	vld [tilespmem:s30+$0xFFFFFF90];
	[tilespmem:s28+$0x0] =	vst v3;
	v1 =	vmul.f32 $8.000000000e+00, v7  }
.Ltmp0:
0x40: {  	[tilespmem:s28+$0xFFFFFF00] =	vst v4;
	v3 =	vld [tilespmem:s30+$0x10];
	v0 =	vmul.f32 $8.000000000e+00, v0;
	(pc) =	sbr.rel @p0 .LBB2_2-.Ltmp0, $4  }
0x41: {  	v4 =	vld [tilespmem:s30+$0xFFFFFF10];
	[tilespmem:s25+$0xFFFFFF20] =	vst v1;
	v2 =	vmul.f32 $8.000000000e+00, v2  }
0x42: {  	v7 =	vmul.f32 $8.000000000e+00, v6;
	v1 =	vld [tilespmem:s26+$0xFFFFFF30];
	[tilespmem:s25+$0xFFFFFFA0] =	vst v0  }
0x43: {  	v0 =	vld [tilespmem:s26+$0xFFFFFFB0];
	[tilespmem:s25+$0x20] =	vst v2;
	v5 =	vmul.f32 $8.000000000e+00, v5  }
0x44: {  	v6 =	vmul.f32 $8.000000000e+00, v8;
	[tilespmem:s28+$0x90] =	vst v7;
	v2 =	vld [tilespmem:s26+$0x30];
	s26 =	smov.u32 s30;
	s30 =	sadd.s32 $0x200, s30  }
0x45: {  	_ = 	snop  }
0x46: {  	v4 =	vmul.f32 $8.000000000e+00, v4;
	_ =	sdelay $0x1  }
0x47: {  	v3 =	vmul.f32 $8.000000000e+00, v3;
	v7 =	vld [tilespmem:s26+$0xA0];
	[tilespmem:s28+$0xFFFFFF10] =	vst v4  }
0x48: {  	[tilespmem:s28+$0xFFFFFF90] =	vst v6;
	v4 =	vld [tilespmem:s26+$0xFFFFFF20]  }
0x49: {  	[tilespmem:s28+$0x10] =	vst v3;
	v3 =	vld [tilespmem:s26+$0xFFFFFFA0]  }
0x4a: {  	v6 =	vld [tilespmem:s26+$0x20];
	_ =	sdelay $0x1  }
0x4b: {  	v7 =	vmul.f32 $8.000000000e+00, v7  }
0x4c: {  	v4 =	vmul.f32 $8.000000000e+00, v4  }
0x4d: {  	[tilespmem:s28+$0xA0] =	vst v7;
	v3 =	vmul.f32 $8.000000000e+00, v3  }
0x4e: {  	v7 =	vld [tilespmem:s26+$0xB0];
	[tilespmem:s28+$0xFFFFFF20] =	vst v4;
	v4 =	vmul.f32 $8.000000000e+00, v6  }
0x4f: {  	[tilespmem:s28+$0xFFFFFFA0] =	vst v3;
	v6 =	vld [tilespmem:s26+$0xFFFFFF30]  }
0x50: {  	v1 =	vmul.f32 $8.000000000e+00, v1;
	v3 =	vld [tilespmem:s26+$0xFFFFFFB0];
	[tilespmem:s28+$0x20] =	vst v4  }
0x51: {  	[tilespmem:s25+$0xB0] =	vst v5;
	v0 =	vmul.f32 $8.000000000e+00, v0;
	v4 =	vld [tilespmem:s26+$0x30]  }
0x52: {  	[tilespmem:s25+$0xFFFFFF30] =	vst v1;
	v1 =	vmul.f32 $8.000000000e+00, v2  }
0x53: {  	[tilespmem:s25+$0xFFFFFFB0] =	vst v0;
	v0 =	vmul.f32 $8.000000000e+00, v7  }
0x54: {  	[tilespmem:s25+$0x30] =	vst v1;
	v1 =	vmul.f32 $8.000000000e+00, v6  }
0x55: {  	[tilespmem:s28+$0xB0] =	vst v0;
	v0 =	vmul.f32 $8.000000000e+00, v3  }
0x56: {  	[tilespmem:s28+$0xFFFFFF30] =	vst v1;
	v1 =	vmul.f32 $8.000000000e+00, v4  }
0x57: {  	[tilespmem:s28+$0xFFFFFFB0] =	vst v0  }
0x58: {  	[tilespmem:s28+$0x30] =	vst v1  }
0x59: {  	[tilespmem:s14], [sflag:$0x1] =	stream.indirect.gather [hbm4b:s3+s13], $0x80, s17, s13, $0xb8;
	[tilespmem:$0x16400] =	vst v63  }
0x5a: {  	s0 =	simm.s32 $0x0  }
0x5b: {  	[hbm4b:s6+s0] =	stream.linear.scatter [tilespmem:s18], [sflag:$0x3], $0x4000, $0x38;
	[tilespmem:$0x16400] =	vst v63  }
0x5c: {  	_ =	swait.ge [sflag:s19], $0x4000  }
0x5d: {  	[sflag:s19] =	ssyncset.done $0x0  }
0x5e: {  	s25 =	simm.s32 $0x0;
	[sflag:s19] =	ssyncadd.s32 $0xFFFFC000  }
0x5f: {  	v0 =	vld [tilespmem:s25+$0xA5B0]  }
0x60: {  	v1 =	vld [tilespmem:s25+$0xA400]  }
0x61: {  	v2 =	vld [tilespmem:s25+$0xA410]  }
0x62: {  	v3 =	vld [tilespmem:s25+$0xA420]  }
0x63: {  	v7 =	vld [tilespmem:s25+$0xA4A0]  }
0x64: {  	v4 =	vld [tilespmem:s25+$0xA430]  }
0x65: {  	v0 =	vmul.f32 $8.000000000e+00, v0  }
0x66: {  	v5 =	vld [tilespmem:s25+$0xA480];
	v1 =	vmul.f32 $8.000000000e+00, v1  }
0x67: {  	v6 =	vld [tilespmem:s25+$0xA490];
	v2 =	vmul.f32 $8.000000000e+00, v2;
	[tilespmem:s25+$0x125B0] =	vst v0  }
0x68: {  	v8 =	vld [tilespmem:s25+$0xA4B0];
	v7 =	vmul.f32 $8.000000000e+00, v7;
	[tilespmem:s25+$0x12400] =	vst v1  }
0x69: {  	v0 =	vmul.f32 $8.000000000e+00, v3;
	[tilespmem:s25+$0x12410] =	vst v2;
	v1 =	vmul.f32 $8.000000000e+00, v4;
	v4 =	vld [tilespmem:s25+$0xA500]  }
0x6a: {  	v3 =	vld [tilespmem:s25+$0xA510];
	[tilespmem:s25+$0x124A0] =	vst v7  }
0x6b: {  	v2 =	vmul.f32 $8.000000000e+00, v5;
	[tilespmem:s25+$0x12420] =	vst v0;
	v0 =	vld [tilespmem:s25+$0xA520]  }
0x6c: {  	v5 =	vmul.f32 $8.000000000e+00, v6;
	[tilespmem:s25+$0x12430] =	vst v1;
	v1 =	vld [tilespmem:s25+$0xA530]  }
0x6d: {  	v6 =	vmul.f32 $8.000000000e+00, v8;
	[tilespmem:s25+$0x12480] =	vst v2;
	v2 =	vld [tilespmem:s25+$0xA580]  }
0x6e: {  	s26 =	simm.s32 $0x0;
	s28 =	simm.s32 $0x800;
	[tilespmem:s25+$0x12490] =	vst v5;
	v5 =	vmul.f32 $8.000000000e+00, v4;
	v4 =	vld [tilespmem:s25+$0xA590]  }
.LBB2_4:
0x6f: {  	s0 =	sshra.s32 s28, $0x2;
	s26 =	sadd.s32 $0x4, s26;
	[tilespmem:s25+$0x124B0] =	vst v6;
	v3 =	vmul.f32 $8.000000000e+00, v3;
	v6 =	vld [tilespmem:s25+$0xA5A0]  }
0x70: {  	v7 =	vld [tilespmem:s0+$0xA5B0];
	p0 =	slt.u32 s26, $0x7C;
	[tilespmem:s25+$0x12500] =	vst v5;
	v0 =	vmul.f32 $8.000000000e+00, v0  }
0x71: {  	v5 =	vld [tilespmem:s0+$0xA400];
	[tilespmem:s25+$0x12510] =	vst v3;
	v1 =	vmul.f32 $8.000000000e+00, v1  }
0x72: {  	v3 =	vld [tilespmem:s0+$0xA410];
	[tilespmem:s25+$0x12520] =	vst v0;
	v0 =	vmul.f32 $8.000000000e+00, v2  }
0x73: {  	v2 =	vld [tilespmem:s0+$0xA420];
	[tilespmem:s25+$0x12530] =	vst v1;
	v1 =	vmul.f32 $8.000000000e+00, v4  }
0x74: {  	v4 =	vld [tilespmem:s0+$0xA430];
	[tilespmem:s25+$0x12580] =	vst v0;
	v0 =	vmul.f32 $8.000000000e+00, v6  }
0x75: {  	v6 =	vld [tilespmem:s0+$0xA480];
	v7 =	vmul.f32 $8.000000000e+00, v7;
	[tilespmem:s25+$0x12590] =	vst v1  }
0x76: {  	v1 =	vmul.f32 $8.000000000e+00, v5;
	v5 =	vld [tilespmem:s0+$0xA490];
	[tilespmem:s25+$0x125A0] =	vst v0;
	s25 =	smov.u32 s0  }
0x77: {  	v0 =	vmul.f32 $8.000000000e+00, v3;
	v8 =	vld [tilespmem:s25+$0xA4A0];
	[tilespmem:s25+$0x125B0] =	vst v7  }
0x78: {  	[tilespmem:s25+$0x12400] =	vst v1;
	v1 =	vmul.f32 $8.000000000e+00, v2;
	v2 =	vld [tilespmem:s25+$0xA4B0]  }
0x79: {  	[tilespmem:s25+$0x12410] =	vst v0;
	v0 =	vmul.f32 $8.000000000e+00, v4;
	v4 =	vld [tilespmem:s25+$0xA500]  }
.Ltmp1:
0x7a: {  	[tilespmem:s25+$0x12420] =	vst v1;
	v1 =	vmul.f32 $8.000000000e+00, v6;
	v3 =	vld [tilespmem:s25+$0xA510];
	(pc) =	sbr.rel @p0 .LBB2_4-.Ltmp1, $4  }
0x7b: {  	[tilespmem:s25+$0x12430] =	vst v0;
	v5 =	vmul.f32 $8.000000000e+00, v5;
	v0 =	vld [tilespmem:s25+$0xA520]  }
0x7c: {  	[tilespmem:s25+$0x12480] =	vst v1;
	v7 =	vmul.f32 $8.000000000e+00, v8;
	v1 =	vld [tilespmem:s25+$0xA530]  }
0x7d: {  	[tilespmem:s25+$0x12490] =	vst v5;
	v6 =	vmul.f32 $8.000000000e+00, v2;
	v2 =	vld [tilespmem:s25+$0xA580]  }
0x7e: {  	s28 =	sadd.s32 $0x800, s28;
	[tilespmem:s25+$0x124A0] =	vst v7;
	v5 =	vmul.f32 $8.000000000e+00, v4;
	v4 =	vld [tilespmem:s25+$0xA590]  }
0x7f: {  	[tilespmem:s25+$0x124B0] =	vst v6;
	v3 =	vmul.f32 $8.000000000e+00, v3;
	v60 =	vld [tilespmem:s25+$0xA5A0]  }
0x80: {  	[tilespmem:s25+$0x12500] =	vst v5;
	v0 =	vmul.f32 $8.000000000e+00, v0  }
0x81: {  	[tilespmem:s25+$0x12510] =	vst v3;
	v1 =	vmul.f32 $8.000000000e+00, v1  }
0x82: {  	[tilespmem:s25+$0x12520] =	vst v0;
	v61 =	vmul.f32 $8.000000000e+00, v2  }
0x83: {  	[tilespmem:s25+$0x12530] =	vst v1;
	v62 =	vmul.f32 $8.000000000e+00, v4  }
0x84: {  	[tilespmem:s25+$0x12580] =	vst v61;
	v63 =	vmul.f32 $8.000000000e+00, v60  }
0x85: {  	[tilespmem:s25+$0x12590] =	vst v62  }
0x86: {  	[tilespmem:s25+$0x125A0] =	vst v63  }
0x87: {  	[tilespmem:s15], [sflag:$0x2] =	stream.indirect.gather [hbm4b:s3+s13], $0x80, s20, s13, $0xb8;
	[tilespmem:$0x16400] =	vst v63  }
0x88: {  	s25 =	simm.s32 $0x1  }
0x89: {  	[hbm4b:s8+s2] =	stream.linear.scatter [tilespmem:s21], [sflag:$0x4], $0x4000, $0x38;
	[tilespmem:$0x16400] =	vst v63  }
.LBB2_6:
0x8a: {  	_ =	swait.ge [sflag:s16], $0x4000  }
0x8b: {  	[sflag:s16] =	ssyncset.done $0x0  }
0x8c: {  	[sflag:s16] =	ssyncadd.s32 $0xFFFFC000  }
0x8d: {  	_ =	swait.ge [sflag:s22], $0x4000  }
0x8e: {  	[sflag:s22] =	ssyncset.done $0x0  }
0x8f: {  	s0 =	simm.s32 $0x6500;
	[sflag:s22] =	ssyncadd.s32 $0xFFFFC000  }
0x90: {  	v0 =	vld [tilespmem:s0+$0x80];
	_ =	sdelay $0x3  }
0x91: {  	v1 =	vld [tilespmem:s0+$0xFFFFFF00]  }
0x92: {  	v2 =	vld [tilespmem:s0+$0xFFFFFF80];
	v0 =	vmul.f32 $8.000000000e+00, v0  }
0x93: {  	s26 =	simm.s32 $0xE500;
	v3 =	vld [tilespmem:s0+$0x0]  }
0x94: {  	[tilespmem:s26+$0x80] =	vst v0  }
0x95: {  	v0 =	vld [tilespmem:s0+$0x90]  }
0x96: {  	v1 =	vmul.f32 $8.000000000e+00, v1  }
0x97: {  	v2 =	vmul.f32 $8.000000000e+00, v2  }
0x98: {  	v3 =	vmul.f32 $8.000000000e+00, v3;
	[tilespmem:s26+$0xFFFFFF00] =	vst v1  }
0x99: {  	[tilespmem:s26+$0xFFFFFF80] =	vst v2;
	v1 =	vld [tilespmem:s0+$0xFFFFFF10]  }
0x9a: {  	[tilespmem:s26+$0x0] =	vst v3;
	v2 =	vld [tilespmem:s0+$0xFFFFFF90];
	v0 =	vmul.f32 $8.000000000e+00, v0  }
0x9b: {  	s28 =	simm.s32 $0x6700;
	v3 =	vld [tilespmem:s0+$0x10]  }
0x9c: {  	[tilespmem:s26+$0x90] =	vst v0;
	v0 =	vld [tilespmem:s28+$0x80]  }
0x9d: {  	v4 =	vld [tilespmem:s0+$0xA0]  }
0x9e: {  	v5 =	vld [tilespmem:s28+$0xFFFFFF80];
	v1 =	vmul.f32 $8.000000000e+00, v1  }
0x9f: {  	v6 =	vld [tilespmem:s28+$0x0];
	v2 =	vmul.f32 $8.000000000e+00, v2  }
0xa0: {  	v3 =	vmul.f32 $8.000000000e+00, v3;
	[tilespmem:s26+$0xFFFFFF10] =	vst v1;
	v1 =	vld [tilespmem:s28+$0xFFFFFF00]  }
0xa1: {  	[tilespmem:s26+$0xFFFFFF90] =	vst v2;
	v2 =	vld [tilespmem:s0+$0xFFFFFF20];
	v0 =	vmul.f32 $8.000000000e+00, v0  }
0xa2: {  	s29 =	simm.s32 $0xE700;
	[tilespmem:s26+$0x10] =	vst v3;
	v7 =	vld [tilespmem:s0+$0xFFFFFFA0];
	v3 =	vmul.f32 $8.000000000e+00, v4  }
0xa3: {  	v4 =	vmul.f32 $8.000000000e+00, v5;
	[tilespmem:s29+$0x80] =	vst v0;
	v0 =	vld [tilespmem:s0+$0x20]  }
0xa4: {  	v5 =	vmul.f32 $8.000000000e+00, v6;
	v6 =	vld [tilespmem:s28+$0x90];
	[tilespmem:s26+$0xA0] =	vst v3  }
0xa5: {  	v1 =	vmul.f32 $8.000000000e+00, v1;
	[tilespmem:s29+$0xFFFFFF80] =	vst v4;
	v8 =	vld [tilespmem:s0+$0xB0]  }
0xa6: {  	v2 =	vmul.f32 $8.000000000e+00, v2;
	[tilespmem:s29+$0x0] =	vst v5;
	v9 =	vld [tilespmem:s28+$0xFFFFFF90]  }
0xa7: {  	[tilespmem:s29+$0xFFFFFF00] =	vst v1;
	v5 =	vmul.f32 $8.000000000e+00, v7;
	v3 =	vld [tilespmem:s28+$0x10]  }
0xa8: {  	v4 =	vld [tilespmem:s28+$0xFFFFFF10];
	[tilespmem:s26+$0xFFFFFF20] =	vst v2;
	v2 =	vmul.f32 $8.000000000e+00, v0  }
0xa9: {  	v1 =	vld [tilespmem:s0+$0xFFFFFF30];
	[tilespmem:s26+$0xFFFFFFA0] =	vst v5;
	v7 =	vmul.f32 $8.000000000e+00, v6  }
0xaa: {  	v0 =	vld [tilespmem:s0+$0xFFFFFFB0];
	[tilespmem:s26+$0x20] =	vst v2;
	v5 =	vmul.f32 $8.000000000e+00, v8  }
0xab: {  	s30 =	simm.s32 $0x4;
	s31 =	simm.s32 $0x6900;
	v6 =	vmul.f32 $8.000000000e+00, v9;
	[tilespmem:s29+$0x90] =	vst v7;
	v2 =	vld [tilespmem:s0+$0x30]  }
.LBB2_7:
0xac: {  	v7 =	vld [tilespmem:s31+$0x80];
	v3 =	vmul.f32 $8.000000000e+00, v3;
	[tilespmem:s26+$0xB0] =	vst v5  }
0xad: {  	s30 =	sadd.s32 $0x4, s30;
	v4 =	vmul.f32 $8.000000000e+00, v4;
	[tilespmem:s29+$0xFFFFFF90] =	vst v6;
	v5 =	vld [tilespmem:s28+$0xA0]  }
0xae: {  	p0 =	slt.u32 s30, $0x7C;
	v6 =	vld [tilespmem:s31+$0xFFFFFF80];
	[tilespmem:s29+$0x10] =	vst v3;
	v1 =	vmul.f32 $8.000000000e+00, v1  }
0xaf: {  	v3 =	vld [tilespmem:s31+$0x0];
	[tilespmem:s29+$0xFFFFFF10] =	vst v4;
	v0 =	vmul.f32 $8.000000000e+00, v0  }
0xb0: {  	v4 =	vld [tilespmem:s31+$0xFFFFFF00];
	[tilespmem:s26+$0xFFFFFF30] =	vst v1;
	v1 =	vmul.f32 $8.000000000e+00, v2  }
0xb1: {  	v2 =	vmul.f32 $8.000000000e+00, v7;
	v7 =	vld [tilespmem:s28+$0xFFFFFF20];
	[tilespmem:s26+$0xFFFFFFB0] =	vst v0  }
0xb2: {  	v0 =	vld [tilespmem:s28+$0xFFFFFFA0];
	v5 =	vmul.f32 $8.000000000e+00, v5;
	[tilespmem:s26+$0x30] =	vst v1;
	s26 =	smov.u32 s29;
	s29 =	sadd.s32 $0x200, s29  }
0xb3: {  	v1 =	vmul.f32 $8.000000000e+00, v6;
	[tilespmem:s29+$0x80] =	vst v2;
	v2 =	vld [tilespmem:s28+$0x20]  }
0xb4: {  	v3 =	vmul.f32 $8.000000000e+00, v3;
	v6 =	vld [tilespmem:s31+$0x90];
	[tilespmem:s26+$0xA0] =	vst v5  }
0xb5: {  	v4 =	vmul.f32 $8.000000000e+00, v4;
	[tilespmem:s29+$0xFFFFFF80] =	vst v1;
	v5 =	vld [tilespmem:s28+$0xB0]  }
0xb6: {  	v8 =	vld [tilespmem:s31+$0xFFFFFF90];
	[tilespmem:s29+$0x0] =	vst v3;
	v1 =	vmul.f32 $8.000000000e+00, v7  }
.Ltmp2:
0xb7: {  	[tilespmem:s29+$0xFFFFFF00] =	vst v4;
	v3 =	vld [tilespmem:s31+$0x10];
	v0 =	vmul.f32 $8.000000000e+00, v0;
	(pc) =	sbr.rel @p0 .LBB2_7-.Ltmp2, $4  }
0xb8: {  	v4 =	vld [tilespmem:s31+$0xFFFFFF10];
	[tilespmem:s26+$0xFFFFFF20] =	vst v1;
	v2 =	vmul.f32 $8.000000000e+00, v2  }
0xb9: {  	v7 =	vmul.f32 $8.000000000e+00, v6;
	v1 =	vld [tilespmem:s28+$0xFFFFFF30];
	[tilespmem:s26+$0xFFFFFFA0] =	vst v0  }
0xba: {  	v0 =	vld [tilespmem:s28+$0xFFFFFFB0];
	[tilespmem:s26+$0x20] =	vst v2;
	v5 =	vmul.f32 $8.000000000e+00, v5  }
0xbb: {  	v6 =	vmul.f32 $8.000000000e+00, v8;
	[tilespmem:s29+$0x90] =	vst v7;
	v2 =	vld [tilespmem:s28+$0x30];
	s28 =	smov.u32 s31;
	s31 =	sadd.s32 $0x200, s31  }
0xbc: {  	_ = 	snop  }
0xbd: {  	v4 =	vmul.f32 $8.000000000e+00, v4;
	_ =	sdelay $0x1  }
0xbe: {  	v3 =	vmul.f32 $8.000000000e+00, v3;
	v7 =	vld [tilespmem:s28+$0xA0];
	[tilespmem:s29+$0xFFFFFF10] =	vst v4  }
0xbf: {  	[tilespmem:s29+$0xFFFFFF90] =	vst v6;
	v4 =	vld [tilespmem:s28+$0xFFFFFF20]  }
0xc0: {  	[tilespmem:s29+$0x10] =	vst v3;
	v3 =	vld [tilespmem:s28+$0xFFFFFFA0]  }
0xc1: {  	v6 =	vld [tilespmem:s28+$0x20];
	_ =	sdelay $0x1  }
0xc2: {  	v7 =	vmul.f32 $8.000000000e+00, v7  }
0xc3: {  	v4 =	vmul.f32 $8.000000000e+00, v4  }
0xc4: {  	[tilespmem:s29+$0xA0] =	vst v7;
	v3 =	vmul.f32 $8.000000000e+00, v3  }
0xc5: {  	v7 =	vld [tilespmem:s28+$0xB0];
	[tilespmem:s29+$0xFFFFFF20] =	vst v4;
	v4 =	vmul.f32 $8.000000000e+00, v6  }
0xc6: {  	[tilespmem:s29+$0xFFFFFFA0] =	vst v3;
	v6 =	vld [tilespmem:s28+$0xFFFFFF30]  }
0xc7: {  	v1 =	vmul.f32 $8.000000000e+00, v1;
	v3 =	vld [tilespmem:s28+$0xFFFFFFB0];
	[tilespmem:s29+$0x20] =	vst v4  }
0xc8: {  	[tilespmem:s26+$0xB0] =	vst v5;
	v0 =	vmul.f32 $8.000000000e+00, v0;
	v4 =	vld [tilespmem:s28+$0x30]  }
0xc9: {  	[tilespmem:s26+$0xFFFFFF30] =	vst v1;
	v1 =	vmul.f32 $8.000000000e+00, v2  }
0xca: {  	[tilespmem:s26+$0xFFFFFFB0] =	vst v0;
	v0 =	vmul.f32 $8.000000000e+00, v7  }
0xcb: {  	[tilespmem:s26+$0x30] =	vst v1;
	v1 =	vmul.f32 $8.000000000e+00, v6  }
0xcc: {  	[tilespmem:s29+$0xB0] =	vst v0;
	v0 =	vmul.f32 $8.000000000e+00, v3  }
0xcd: {  	s0 =	sshll.u32 s25, $0x8;
	[tilespmem:s29+$0xFFFFFF30] =	vst v1;
	v1 =	vmul.f32 $8.000000000e+00, v4  }
0xce: {  	s26 =	sand.u32 $0x3FFFFF00, s0;
	[tilespmem:s29+$0xFFFFFFB0] =	vst v0  }
0xcf: {  	s31 =	sshll.u32 s25, $0xF;
	s0 =	sadd.s32 $0x100, s26;
	[tilespmem:s29+$0x30] =	vst v1  }
0xd0: {  	[tilespmem:s14], [sflag:$0x1] =	stream.indirect.gather [hbm4b:s3+s13], $0x80, s0, s13, $0xb8;
	[tilespmem:$0x16400] =	vst v63  }
0xd1: {  	s0 =	sadd.s32 s4, s31  }
0xd2: {  	s0 =	sshrl.u32 s0, $0x3  }
0xd3: {  	s28 =	simm.s32 $0x0;
	s0 =	sadd.s32 s5, s0  }
0xd4: {  	[hbm4b:s0+s28] =	stream.linear.scatter [tilespmem:s18], [sflag:$0x3], $0x4000, $0x38;
	[tilespmem:$0x16400] =	vst v63  }
0xd5: {  	_ =	swait.ge [sflag:s19], $0x4000  }
0xd6: {  	[sflag:s19] =	ssyncset.done $0x0  }
0xd7: {  	[sflag:s19] =	ssyncadd.s32 $0xFFFFC000  }
0xd8: {  	_ =	swait.ge [sflag:s23], $0x4000  }
0xd9: {  	[sflag:s23] =	ssyncset.done $0x0  }
0xda: {  	s28 =	simm.s32 $0x0;
	[sflag:s23] =	ssyncadd.s32 $0xFFFFC000  }
0xdb: {  	v0 =	vld [tilespmem:s28+$0xA5B0]  }
0xdc: {  	v1 =	vld [tilespmem:s28+$0xA400]  }
0xdd: {  	v2 =	vld [tilespmem:s28+$0xA410]  }
0xde: {  	v3 =	vld [tilespmem:s28+$0xA420]  }
0xdf: {  	v7 =	vld [tilespmem:s28+$0xA4A0]  }
0xe0: {  	v4 =	vld [tilespmem:s28+$0xA430]  }
0xe1: {  	v0 =	vmul.f32 $8.000000000e+00, v0  }
0xe2: {  	v5 =	vld [tilespmem:s28+$0xA480];
	v1 =	vmul.f32 $8.000000000e+00, v1  }
0xe3: {  	v6 =	vld [tilespmem:s28+$0xA490];
	v2 =	vmul.f32 $8.000000000e+00, v2;
	[tilespmem:s28+$0x125B0] =	vst v0  }
0xe4: {  	v8 =	vld [tilespmem:s28+$0xA4B0];
	v7 =	vmul.f32 $8.000000000e+00, v7;
	[tilespmem:s28+$0x12400] =	vst v1  }
0xe5: {  	v0 =	vmul.f32 $8.000000000e+00, v3;
	[tilespmem:s28+$0x12410] =	vst v2;
	v1 =	vmul.f32 $8.000000000e+00, v4;
	v4 =	vld [tilespmem:s28+$0xA500]  }
0xe6: {  	v3 =	vld [tilespmem:s28+$0xA510];
	[tilespmem:s28+$0x124A0] =	vst v7  }
0xe7: {  	v2 =	vmul.f32 $8.000000000e+00, v5;
	[tilespmem:s28+$0x12420] =	vst v0;
	v0 =	vld [tilespmem:s28+$0xA520]  }
0xe8: {  	v5 =	vmul.f32 $8.000000000e+00, v6;
	[tilespmem:s28+$0x12430] =	vst v1;
	v1 =	vld [tilespmem:s28+$0xA530]  }
0xe9: {  	v6 =	vmul.f32 $8.000000000e+00, v8;
	[tilespmem:s28+$0x12480] =	vst v2;
	v2 =	vld [tilespmem:s28+$0xA580]  }
0xea: {  	s30 =	simm.s32 $0x800;
	s29 =	simm.s32 $0x0;
	[tilespmem:s28+$0x12490] =	vst v5;
	v5 =	vmul.f32 $8.000000000e+00, v4;
	v4 =	vld [tilespmem:s28+$0xA590]  }
.LBB2_9:
0xeb: {  	s0 =	sshra.s32 s30, $0x2;
	s29 =	sadd.s32 $0x4, s29;
	[tilespmem:s28+$0x124B0] =	vst v6;
	v3 =	vmul.f32 $8.000000000e+00, v3;
	v6 =	vld [tilespmem:s28+$0xA5A0]  }
0xec: {  	v7 =	vld [tilespmem:s0+$0xA5B0];
	p0 =	slt.u32 s29, $0x7C;
	[tilespmem:s28+$0x12500] =	vst v5;
	v0 =	vmul.f32 $8.000000000e+00, v0  }
0xed: {  	v5 =	vld [tilespmem:s0+$0xA400];
	[tilespmem:s28+$0x12510] =	vst v3;
	v1 =	vmul.f32 $8.000000000e+00, v1  }
0xee: {  	v3 =	vld [tilespmem:s0+$0xA410];
	[tilespmem:s28+$0x12520] =	vst v0;
	v0 =	vmul.f32 $8.000000000e+00, v2  }
0xef: {  	v2 =	vld [tilespmem:s0+$0xA420];
	[tilespmem:s28+$0x12530] =	vst v1;
	v1 =	vmul.f32 $8.000000000e+00, v4  }
0xf0: {  	v4 =	vld [tilespmem:s0+$0xA430];
	[tilespmem:s28+$0x12580] =	vst v0;
	v0 =	vmul.f32 $8.000000000e+00, v6  }
0xf1: {  	v6 =	vld [tilespmem:s0+$0xA480];
	v7 =	vmul.f32 $8.000000000e+00, v7;
	[tilespmem:s28+$0x12590] =	vst v1  }
0xf2: {  	v1 =	vmul.f32 $8.000000000e+00, v5;
	v5 =	vld [tilespmem:s0+$0xA490];
	[tilespmem:s28+$0x125A0] =	vst v0;
	s28 =	smov.u32 s0  }
0xf3: {  	v0 =	vmul.f32 $8.000000000e+00, v3;
	v8 =	vld [tilespmem:s28+$0xA4A0];
	[tilespmem:s28+$0x125B0] =	vst v7  }
0xf4: {  	[tilespmem:s28+$0x12400] =	vst v1;
	v1 =	vmul.f32 $8.000000000e+00, v2;
	v2 =	vld [tilespmem:s28+$0xA4B0]  }
0xf5: {  	[tilespmem:s28+$0x12410] =	vst v0;
	v0 =	vmul.f32 $8.000000000e+00, v4;
	v4 =	vld [tilespmem:s28+$0xA500]  }
.Ltmp3:
0xf6: {  	[tilespmem:s28+$0x12420] =	vst v1;
	v1 =	vmul.f32 $8.000000000e+00, v6;
	v3 =	vld [tilespmem:s28+$0xA510];
	(pc) =	sbr.rel @p0 .LBB2_9-.Ltmp3, $4  }
0xf7: {  	[tilespmem:s28+$0x12430] =	vst v0;
	v5 =	vmul.f32 $8.000000000e+00, v5;
	v0 =	vld [tilespmem:s28+$0xA520]  }
0xf8: {  	[tilespmem:s28+$0x12480] =	vst v1;
	v7 =	vmul.f32 $8.000000000e+00, v8;
	v1 =	vld [tilespmem:s28+$0xA530]  }
0xf9: {  	[tilespmem:s28+$0x12490] =	vst v5;
	v6 =	vmul.f32 $8.000000000e+00, v2;
	v2 =	vld [tilespmem:s28+$0xA580]  }
0xfa: {  	s30 =	sadd.s32 $0x800, s30;
	[tilespmem:s28+$0x124A0] =	vst v7;
	v5 =	vmul.f32 $8.000000000e+00, v4;
	v4 =	vld [tilespmem:s28+$0xA590]  }
0xfb: {  	[tilespmem:s28+$0x124B0] =	vst v6;
	v3 =	vmul.f32 $8.000000000e+00, v3;
	v60 =	vld [tilespmem:s28+$0xA5A0]  }
0xfc: {  	[tilespmem:s28+$0x12500] =	vst v5;
	v0 =	vmul.f32 $8.000000000e+00, v0  }
0xfd: {  	[tilespmem:s28+$0x12510] =	vst v3;
	v1 =	vmul.f32 $8.000000000e+00, v1  }
0xfe: {  	[tilespmem:s28+$0x12520] =	vst v0;
	v61 =	vmul.f32 $8.000000000e+00, v2  }
0xff: {  	s31 =	sshll.u32 s25, $0xC;
	s25 =	sadd.s32 $0x1, s25;
	[tilespmem:s28+$0x12530] =	vst v1;
	v62 =	vmul.f32 $8.000000000e+00, v4  }
0x100: {  	p0 =	sne.s32 s25, $0x63;
	[tilespmem:s28+$0x12580] =	vst v61;
	v63 =	vmul.f32 $8.000000000e+00, v60  }
.Ltmp4:
0x101: {  	[tilespmem:s28+$0x12590] =	vst v62;
	(pc) =	sbr.rel @p0 .LBB2_6-.Ltmp4, $4  }
0x102: {  	s0 =	sadd.s32 $0x180, s26;
	[tilespmem:s28+$0x125A0] =	vst v63  }
0x103: {  	[tilespmem:s15], [sflag:$0x2] =	stream.indirect.gather [hbm4b:s3+s13], $0x80, s0, s13, $0xb8;
	[tilespmem:$0x16400] =	vst v63  }
0x104: {  	s0 =	sadd.s32 s8, s31  }
0x105: {  	[hbm4b:s0+s2] =	stream.linear.scatter [tilespmem:s21], [sflag:$0x4], $0x4000, $0x38;
	[tilespmem:$0x16400] =	vst v63  }
0x106: {  	_ =	swait.ge [sflag:s16], $0x4000  }
0x107: {  	[sflag:s16] =	ssyncset.done $0x0  }
0x108: {  	[sflag:s16] =	ssyncadd.s32 $0xFFFFC000  }
0x109: {  	_ =	swait.ge [sflag:s22], $0x4000  }
0x10a: {  	[sflag:s22] =	ssyncset.done $0x0  }
0x10b: {  	s0 =	simm.s32 $0x6500;
	[sflag:s22] =	ssyncadd.s32 $0xFFFFC000  }
0x10c: {  	v0 =	vld [tilespmem:s0+$0x80];
	_ =	sdelay $0x3  }
0x10d: {  	v1 =	vld [tilespmem:s0+$0xFFFFFF00]  }
0x10e: {  	v2 =	vld [tilespmem:s0+$0xFFFFFF80];
	v0 =	vmul.f32 $8.000000000e+00, v0  }
0x10f: {  	s25 =	simm.s32 $0xE500;
	v3 =	vld [tilespmem:s0+$0x0]  }
0x110: {  	[tilespmem:s25+$0x80] =	vst v0  }
0x111: {  	v0 =	vld [tilespmem:s0+$0x90]  }
0x112: {  	v1 =	vmul.f32 $8.000000000e+00, v1  }
0x113: {  	v2 =	vmul.f32 $8.000000000e+00, v2  }
0x114: {  	v3 =	vmul.f32 $8.000000000e+00, v3;
	[tilespmem:s25+$0xFFFFFF00] =	vst v1  }
0x115: {  	[tilespmem:s25+$0xFFFFFF80] =	vst v2;
	v1 =	vld [tilespmem:s0+$0xFFFFFF10]  }
0x116: {  	[tilespmem:s25+$0x0] =	vst v3;
	v2 =	vld [tilespmem:s0+$0xFFFFFF90];
	v0 =	vmul.f32 $8.000000000e+00, v0  }
0x117: {  	s26 =	simm.s32 $0x6700;
	v3 =	vld [tilespmem:s0+$0x10]  }
0x118: {  	[tilespmem:s25+$0x90] =	vst v0;
	v0 =	vld [tilespmem:s26+$0x80]  }
0x119: {  	v4 =	vld [tilespmem:s0+$0xA0]  }
0x11a: {  	v5 =	vld [tilespmem:s26+$0xFFFFFF80];
	v1 =	vmul.f32 $8.000000000e+00, v1  }
0x11b: {  	v6 =	vld [tilespmem:s26+$0x0];
	v2 =	vmul.f32 $8.000000000e+00, v2  }
0x11c: {  	v3 =	vmul.f32 $8.000000000e+00, v3;
	[tilespmem:s25+$0xFFFFFF10] =	vst v1;
	v1 =	vld [tilespmem:s26+$0xFFFFFF00]  }
0x11d: {  	[tilespmem:s25+$0xFFFFFF90] =	vst v2;
	v2 =	vld [tilespmem:s0+$0xFFFFFF20];
	v0 =	vmul.f32 $8.000000000e+00, v0  }
0x11e: {  	s28 =	simm.s32 $0xE700;
	[tilespmem:s25+$0x10] =	vst v3;
	v7 =	vld [tilespmem:s0+$0xFFFFFFA0];
	v3 =	vmul.f32 $8.000000000e+00, v4  }
0x11f: {  	v4 =	vmul.f32 $8.000000000e+00, v5;
	[tilespmem:s28+$0x80] =	vst v0;
	v0 =	vld [tilespmem:s0+$0x20]  }
0x120: {  	v5 =	vmul.f32 $8.000000000e+00, v6;
	v6 =	vld [tilespmem:s26+$0x90];
	[tilespmem:s25+$0xA0] =	vst v3  }
0x121: {  	v1 =	vmul.f32 $8.000000000e+00, v1;
	[tilespmem:s28+$0xFFFFFF80] =	vst v4;
	v8 =	vld [tilespmem:s0+$0xB0]  }
0x122: {  	v2 =	vmul.f32 $8.000000000e+00, v2;
	[tilespmem:s28+$0x0] =	vst v5;
	v9 =	vld [tilespmem:s26+$0xFFFFFF90]  }
0x123: {  	[tilespmem:s28+$0xFFFFFF00] =	vst v1;
	v5 =	vmul.f32 $8.000000000e+00, v7;
	v3 =	vld [tilespmem:s26+$0x10]  }
0x124: {  	v4 =	vld [tilespmem:s26+$0xFFFFFF10];
	[tilespmem:s25+$0xFFFFFF20] =	vst v2;
	v2 =	vmul.f32 $8.000000000e+00, v0  }
0x125: {  	v1 =	vld [tilespmem:s0+$0xFFFFFF30];
	[tilespmem:s25+$0xFFFFFFA0] =	vst v5;
	v7 =	vmul.f32 $8.000000000e+00, v6  }
0x126: {  	v0 =	vld [tilespmem:s0+$0xFFFFFFB0];
	[tilespmem:s25+$0x20] =	vst v2;
	v5 =	vmul.f32 $8.000000000e+00, v8  }
0x127: {  	s29 =	simm.s32 $0x4;
	s30 =	simm.s32 $0x6900;
	v6 =	vmul.f32 $8.000000000e+00, v9;
	[tilespmem:s28+$0x90] =	vst v7;
	v2 =	vld [tilespmem:s0+$0x30]  }
.LBB2_12:
0x128: {  	v7 =	vld [tilespmem:s30+$0x80];
	v3 =	vmul.f32 $8.000000000e+00, v3;
	[tilespmem:s25+$0xB0] =	vst v5  }
0x129: {  	s29 =	sadd.s32 $0x4, s29;
	v4 =	vmul.f32 $8.000000000e+00, v4;
	[tilespmem:s28+$0xFFFFFF90] =	vst v6;
	v5 =	vld [tilespmem:s26+$0xA0]  }
0x12a: {  	p0 =	slt.u32 s29, $0x7C;
	v6 =	vld [tilespmem:s30+$0xFFFFFF80];
	[tilespmem:s28+$0x10] =	vst v3;
	v1 =	vmul.f32 $8.000000000e+00, v1  }
0x12b: {  	v3 =	vld [tilespmem:s30+$0x0];
	[tilespmem:s28+$0xFFFFFF10] =	vst v4;
	v0 =	vmul.f32 $8.000000000e+00, v0  }
0x12c: {  	v4 =	vld [tilespmem:s30+$0xFFFFFF00];
	[tilespmem:s25+$0xFFFFFF30] =	vst v1;
	v1 =	vmul.f32 $8.000000000e+00, v2  }
0x12d: {  	v2 =	vmul.f32 $8.000000000e+00, v7;
	v7 =	vld [tilespmem:s26+$0xFFFFFF20];
	[tilespmem:s25+$0xFFFFFFB0] =	vst v0  }
0x12e: {  	v0 =	vld [tilespmem:s26+$0xFFFFFFA0];
	v5 =	vmul.f32 $8.000000000e+00, v5;
	[tilespmem:s25+$0x30] =	vst v1;
	s25 =	smov.u32 s28;
	s28 =	sadd.s32 $0x200, s28  }
0x12f: {  	v1 =	vmul.f32 $8.000000000e+00, v6;
	[tilespmem:s28+$0x80] =	vst v2;
	v2 =	vld [tilespmem:s26+$0x20]  }
0x130: {  	v3 =	vmul.f32 $8.000000000e+00, v3;
	v6 =	vld [tilespmem:s30+$0x90];
	[tilespmem:s25+$0xA0] =	vst v5  }
0x131: {  	v4 =	vmul.f32 $8.000000000e+00, v4;
	[tilespmem:s28+$0xFFFFFF80] =	vst v1;
	v5 =	vld [tilespmem:s26+$0xB0]  }
0x132: {  	v8 =	vld [tilespmem:s30+$0xFFFFFF90];
	[tilespmem:s28+$0x0] =	vst v3;
	v1 =	vmul.f32 $8.000000000e+00, v7  }
.Ltmp5:
0x133: {  	[tilespmem:s28+$0xFFFFFF00] =	vst v4;
	v3 =	vld [tilespmem:s30+$0x10];
	v0 =	vmul.f32 $8.000000000e+00, v0;
	(pc) =	sbr.rel @p0 .LBB2_12-.Ltmp5, $4  }
0x134: {  	v4 =	vld [tilespmem:s30+$0xFFFFFF10];
	[tilespmem:s25+$0xFFFFFF20] =	vst v1;
	v2 =	vmul.f32 $8.000000000e+00, v2  }
0x135: {  	v7 =	vmul.f32 $8.000000000e+00, v6;
	v1 =	vld [tilespmem:s26+$0xFFFFFF30];
	[tilespmem:s25+$0xFFFFFFA0] =	vst v0  }
0x136: {  	v0 =	vld [tilespmem:s26+$0xFFFFFFB0];
	[tilespmem:s25+$0x20] =	vst v2;
	v5 =	vmul.f32 $8.000000000e+00, v5  }
0x137: {  	v6 =	vmul.f32 $8.000000000e+00, v8;
	[tilespmem:s28+$0x90] =	vst v7;
	v2 =	vld [tilespmem:s26+$0x30];
	s26 =	smov.u32 s30;
	s30 =	sadd.s32 $0x200, s30  }
0x138: {  	_ = 	snop  }
0x139: {  	v4 =	vmul.f32 $8.000000000e+00, v4;
	_ =	sdelay $0x1  }
0x13a: {  	v3 =	vmul.f32 $8.000000000e+00, v3;
	v7 =	vld [tilespmem:s26+$0xA0];
	[tilespmem:s28+$0xFFFFFF10] =	vst v4  }
0x13b: {  	[tilespmem:s28+$0xFFFFFF90] =	vst v6;
	v4 =	vld [tilespmem:s26+$0xFFFFFF20]  }
0x13c: {  	[tilespmem:s28+$0x10] =	vst v3;
	v3 =	vld [tilespmem:s26+$0xFFFFFFA0]  }
0x13d: {  	v6 =	vld [tilespmem:s26+$0x20];
	_ =	sdelay $0x1  }
0x13e: {  	v7 =	vmul.f32 $8.000000000e+00, v7  }
0x13f: {  	v4 =	vmul.f32 $8.000000000e+00, v4  }
0x140: {  	[tilespmem:s28+$0xA0] =	vst v7;
	v3 =	vmul.f32 $8.000000000e+00, v3  }
0x141: {  	v7 =	vld [tilespmem:s26+$0xB0];
	[tilespmem:s28+$0xFFFFFF20] =	vst v4;
	v4 =	vmul.f32 $8.000000000e+00, v6  }
0x142: {  	[tilespmem:s28+$0xFFFFFFA0] =	vst v3;
	v6 =	vld [tilespmem:s26+$0xFFFFFF30]  }
0x143: {  	v1 =	vmul.f32 $8.000000000e+00, v1;
	v3 =	vld [tilespmem:s26+$0xFFFFFFB0];
	[tilespmem:s28+$0x20] =	vst v4  }
0x144: {  	[tilespmem:s25+$0xB0] =	vst v5;
	v0 =	vmul.f32 $8.000000000e+00, v0;
	v4 =	vld [tilespmem:s26+$0x30]  }
0x145: {  	[tilespmem:s25+$0xFFFFFF30] =	vst v1;
	v1 =	vmul.f32 $8.000000000e+00, v2  }
0x146: {  	[tilespmem:s25+$0xFFFFFFB0] =	vst v0;
	v0 =	vmul.f32 $8.000000000e+00, v7  }
0x147: {  	[tilespmem:s25+$0x30] =	vst v1;
	v1 =	vmul.f32 $8.000000000e+00, v6  }
0x148: {  	[tilespmem:s28+$0xB0] =	vst v0;
	v0 =	vmul.f32 $8.000000000e+00, v3  }
0x149: {  	[tilespmem:s28+$0xFFFFFF30] =	vst v1;
	v1 =	vmul.f32 $8.000000000e+00, v4  }
0x14a: {  	[tilespmem:s28+$0xFFFFFFB0] =	vst v0  }
0x14b: {  	s0 =	simm.s32 $0x0;
	[tilespmem:s28+$0x30] =	vst v1  }
0x14c: {  	[hbm4b:s9+s0] =	stream.linear.scatter [tilespmem:s18], [sflag:$0x3], $0x4000, $0x38;
	[tilespmem:$0x16400] =	vst v63  }
0x14d: {  	_ =	swait.ge [sflag:s19], $0x4000  }
0x14e: {  	[sflag:s19] =	ssyncset.done $0x0  }
0x14f: {  	[sflag:s19] =	ssyncadd.s32 $0xFFFFC000  }
0x150: {  	_ =	swait.ge [sflag:s23], $0x4000  }
0x151: {  	[sflag:s23] =	ssyncset.done $0x0  }
0x152: {  	s25 =	simm.s32 $0x0;
	[sflag:s23] =	ssyncadd.s32 $0xFFFFC000  }
0x153: {  	v0 =	vld [tilespmem:s25+$0xA5B0]  }
0x154: {  	v1 =	vld [tilespmem:s25+$0xA400]  }
0x155: {  	v2 =	vld [tilespmem:s25+$0xA410]  }
0x156: {  	v3 =	vld [tilespmem:s25+$0xA420]  }
0x157: {  	v7 =	vld [tilespmem:s25+$0xA4A0]  }
0x158: {  	v4 =	vld [tilespmem:s25+$0xA430]  }
0x159: {  	v0 =	vmul.f32 $8.000000000e+00, v0  }
0x15a: {  	v5 =	vld [tilespmem:s25+$0xA480];
	v1 =	vmul.f32 $8.000000000e+00, v1  }
0x15b: {  	v6 =	vld [tilespmem:s25+$0xA490];
	v2 =	vmul.f32 $8.000000000e+00, v2;
	[tilespmem:s25+$0x125B0] =	vst v0  }
0x15c: {  	v8 =	vld [tilespmem:s25+$0xA4B0];
	v7 =	vmul.f32 $8.000000000e+00, v7;
	[tilespmem:s25+$0x12400] =	vst v1  }
0x15d: {  	v0 =	vmul.f32 $8.000000000e+00, v3;
	[tilespmem:s25+$0x12410] =	vst v2;
	v1 =	vmul.f32 $8.000000000e+00, v4;
	v4 =	vld [tilespmem:s25+$0xA500]  }
0x15e: {  	v3 =	vld [tilespmem:s25+$0xA510];
	[tilespmem:s25+$0x124A0] =	vst v7  }
0x15f: {  	v2 =	vmul.f32 $8.000000000e+00, v5;
	[tilespmem:s25+$0x12420] =	vst v0;
	v0 =	vld [tilespmem:s25+$0xA520]  }
0x160: {  	v5 =	vmul.f32 $8.000000000e+00, v6;
	[tilespmem:s25+$0x12430] =	vst v1;
	v1 =	vld [tilespmem:s25+$0xA530]  }
0x161: {  	v6 =	vmul.f32 $8.000000000e+00, v8;
	[tilespmem:s25+$0x12480] =	vst v2;
	v2 =	vld [tilespmem:s25+$0xA580]  }
0x162: {  	s26 =	simm.s32 $0x0;
	s28 =	simm.s32 $0x800;
	[tilespmem:s25+$0x12490] =	vst v5;
	v5 =	vmul.f32 $8.000000000e+00, v4;
	v4 =	vld [tilespmem:s25+$0xA590]  }
.LBB2_14:
0x163: {  	s0 =	sshra.s32 s28, $0x2;
	s26 =	sadd.s32 $0x4, s26;
	[tilespmem:s25+$0x124B0] =	vst v6;
	v3 =	vmul.f32 $8.000000000e+00, v3;
	v6 =	vld [tilespmem:s25+$0xA5A0]  }
0x164: {  	v7 =	vld [tilespmem:s0+$0xA5B0];
	p0 =	slt.u32 s26, $0x7C;
	[tilespmem:s25+$0x12500] =	vst v5;
	v0 =	vmul.f32 $8.000000000e+00, v0  }
0x165: {  	v5 =	vld [tilespmem:s0+$0xA400];
	[tilespmem:s25+$0x12510] =	vst v3;
	v1 =	vmul.f32 $8.000000000e+00, v1  }
0x166: {  	v3 =	vld [tilespmem:s0+$0xA410];
	[tilespmem:s25+$0x12520] =	vst v0;
	v0 =	vmul.f32 $8.000000000e+00, v2  }
0x167: {  	v2 =	vld [tilespmem:s0+$0xA420];
	[tilespmem:s25+$0x12530] =	vst v1;
	v1 =	vmul.f32 $8.000000000e+00, v4  }
0x168: {  	v4 =	vld [tilespmem:s0+$0xA430];
	[tilespmem:s25+$0x12580] =	vst v0;
	v0 =	vmul.f32 $8.000000000e+00, v6  }
0x169: {  	v6 =	vld [tilespmem:s0+$0xA480];
	v7 =	vmul.f32 $8.000000000e+00, v7;
	[tilespmem:s25+$0x12590] =	vst v1  }
0x16a: {  	v1 =	vmul.f32 $8.000000000e+00, v5;
	v5 =	vld [tilespmem:s0+$0xA490];
	[tilespmem:s25+$0x125A0] =	vst v0;
	s25 =	smov.u32 s0  }
0x16b: {  	v0 =	vmul.f32 $8.000000000e+00, v3;
	v8 =	vld [tilespmem:s25+$0xA4A0];
	[tilespmem:s25+$0x125B0] =	vst v7  }
0x16c: {  	[tilespmem:s25+$0x12400] =	vst v1;
	v1 =	vmul.f32 $8.000000000e+00, v2;
	v2 =	vld [tilespmem:s25+$0xA4B0]  }
0x16d: {  	[tilespmem:s25+$0x12410] =	vst v0;
	v0 =	vmul.f32 $8.000000000e+00, v4;
	v4 =	vld [tilespmem:s25+$0xA500]  }
.Ltmp6:
0x16e: {  	[tilespmem:s25+$0x12420] =	vst v1;
	v1 =	vmul.f32 $8.000000000e+00, v6;
	v3 =	vld [tilespmem:s25+$0xA510];
	(pc) =	sbr.rel @p0 .LBB2_14-.Ltmp6, $4  }
0x16f: {  	[tilespmem:s25+$0x12430] =	vst v0;
	v5 =	vmul.f32 $8.000000000e+00, v5;
	v0 =	vld [tilespmem:s25+$0xA520]  }
0x170: {  	[tilespmem:s25+$0x12480] =	vst v1;
	v7 =	vmul.f32 $8.000000000e+00, v8;
	v1 =	vld [tilespmem:s25+$0xA530]  }
0x171: {  	[tilespmem:s25+$0x12490] =	vst v5;
	v6 =	vmul.f32 $8.000000000e+00, v2;
	v2 =	vld [tilespmem:s25+$0xA580]  }
0x172: {  	s28 =	sadd.s32 $0x800, s28;
	[tilespmem:s25+$0x124A0] =	vst v7;
	v5 =	vmul.f32 $8.000000000e+00, v4;
	v4 =	vld [tilespmem:s25+$0xA590]  }
0x173: {  	[tilespmem:s25+$0x124B0] =	vst v6;
	v3 =	vmul.f32 $8.000000000e+00, v3;
	v60 =	vld [tilespmem:s25+$0xA5A0]  }
0x174: {  	[tilespmem:s25+$0x12500] =	vst v5;
	v0 =	vmul.f32 $8.000000000e+00, v0  }
0x175: {  	[tilespmem:s25+$0x12510] =	vst v3;
	v1 =	vmul.f32 $8.000000000e+00, v1  }
0x176: {  	[tilespmem:s25+$0x12520] =	vst v0;
	v61 =	vmul.f32 $8.000000000e+00, v2  }
0x177: {  	[tilespmem:s25+$0x12530] =	vst v1;
	v62 =	vmul.f32 $8.000000000e+00, v4  }
0x178: {  	[tilespmem:s25+$0x12580] =	vst v61;
	v63 =	vmul.f32 $8.000000000e+00, v60  }
0x179: {  	[tilespmem:s25+$0x12590] =	vst v62  }
0x17a: {  	s24 =	sadd.s32 $0x1, s24;
	[tilespmem:s25+$0x125A0] =	vst v63  }
0x17b: {  	[hbm4b:s10+s2] =	stream.linear.scatter [tilespmem:s21], [sflag:$0x4], $0x4000, $0x38;
	[tilespmem:$0x16400] =	vst v63  }
0x17c: {  	p0 =	sne.s32 s24, s11;
	_ =	swait.ge [sflag:s22], $0x4000  }
.Ltmp7:
0x17d: {  	[sflag:s22] =	ssyncset.done $0x0;
	(pc) =	sbr.rel @p0 .LBB2_1-.Ltmp7, $4  }
0x17e: {  	[sflag:s22] =	ssyncadd.s32 $0xFFFFC000  }
0x17f: {  	_ =	swait.ge [sflag:s23], $0x4000  }
0x180: {  	[sflag:s23] =	ssyncset.done $0x0  }
0x181: {  	[sflag:s23] =	ssyncadd.s32 $0xFFFFC000  }
0x182: {  	_ =	sfence.sel $0x180000  }
0x183: {  	[bflag:$0x0] =	sbarrier.arrive $0xFFFF  }
0x184: {  	_ =	strace $0x90000047  }
0x185: {  	[bflag:$0x2] =	sbarrier.arrive $0xFFFF  }
0x186: {  	p0 =	sne.s32 s1, $0x0;
	s0 =	rddreg [dreg:$0x2]  }
0x187: {  	s0 =	sadd.s32 @!p0 $0x100000, s0  }
0x188: {  	[sflag:s0] =	ssyncadd.tile.s32 @!p0 $0x1;
	_ =	shalt  }
.Lfunc_end2:
_tile_overlayer_lowered:
.L_overlay_start_2:
0x189: {  	(tag) =	ssettag $0x2  }
0x18a: {  	s0 =	rddreg [dreg:$0x0];
	s2 =	stileid.u32  }
0x18b: {  	s1 =	rddreg [dreg:$0x1];
	p0 =	sne.s32 s2, $0x0  }
0x18c: {  	s3 =	rddreg [dreg:$0x2];
	[bflag:$0x3] =	sbarrier.arrive $0xFFFF;
	s2 =	simm.s32 @!p0 $0x1C05  }
0x18d: {  	[timem:s3], [sflag:s2] =	dma.local @!p0 [hbm:s0], s1  }
0x18e: {  	s0 =	simm.s32 @!p0 $0x5  }
0x18f: {  	_ =	swait.ge @!p0 [sflag:s0], s1  }
0x190: {  	s1 =	ssub.s32 @!p0 $0x0, s1;
	[sflag:s0] =	ssyncset.done @!p0 $0x0  }
0x191: {  	[sflag:s0] =	ssyncadd.s32 @!p0 s1  }
0x192: {  	[bflag:$0x3] =	sbarrier.arrive $0xFFFF  }
0x193: {  	_ =	shalt  }

// kernel: sparse-core-data-format-call.cloned.1.call-start
scs
called_computation_lowered:
.L_overlay_start_0:
0x0: {  	s2 =	sld [smem:$0x3FD9]  }
0x1: {  	s3 =	sld [smem:$0x3FFE];
	_ =	sdelay $0x1  }
0x2: {  	s1 =	srdreg.scid  }
0x3: {  	s0 =	sand.u32 $0x1, s1  }
0x4: {  	s18 =	sshll.u32 s0, $0xA;
	s2 =	sadd.s32 s3, s2  }
0x5: {  	s2 =	sadd.s32 s2, s18  }
0x6: {  	[smem:$0x3FC6] =	sst s2  }
0x7: {  	_ = 	snop  }
0x8: {  	s2 =	sld [smem:$0x3FD0];
	(tm) =	ssettm $0x1  }
0x9: {  	s19 =	sld [smem:$0x3FFB];
	_ =	sdelay $0x3  }
0xa: {  	_ =	strace s19  }
0xb: {  	s3 =	sld [smem:$0x3FFC];
	_ =	sdelay $0x3  }
0xc: {  	_ =	strace s3  }
0xd: {  	s3 =	sld [smem:$0x3FFD];
	_ =	sdelay $0x3  }
0xe: {  	_ =	strace s3  }
0xf: {  	_ =	strace $0x8FFFFFFF  }
0x10: {  	s20 =	sld [smem:$0x3FDB];
	_ =	sdelay $0x1  }
0x11: {  	s4 =	simm.s32 $_scs_section_size  }
0x12: {  	s5 =	simm.s32 $_size__tile_overlayer_lowered;
	s6 =	simm.s32 $_tile_overlayer_lowered  }
0x13: {  	s23 =	simm.s32 $0x1BFF;
	s22 =	sshll.u32 s6, $0x1;
	s3 =	sadd.s32 s4, s20  }
0x14: {  	s7 =	simm.s32 $0x0;
	s21 =	sshll.u32 s5, $0x1;
	s5 =	sadd.s32 s22, s3  }
0x15: {  	[timem:s7], [sflag:s23] =	dma.local [hbm:s5], s21  }
0x16: {  	_ =	swait.ge [sflag:s23], s21  }
0x17: {  	s4 =	ssub.s32 $0x0, s21;
	[sflag:s23] =	ssyncset.done $0x0  }
0x18: {  	[sflag:s23] =	ssyncadd.s32 s4;
	_ =	sdelay $0x1  }
0x19: {  	s24 =	simm.s32 $0x1B8B  }
0x1a: {  	_ =	swait.ge [sflag:s24], $0x1  }
0x1b: {  	[sflag:s24] =	ssyncset.done $0x0  }
0x1c: {  	s26 =	simm.s32 $0x1B8E;
	s25 =	sld [smem:$0x3FFE];
	[sflag:s24] =	ssyncadd.s32 $0xFFFFFFFF  }
0x1d: {  	s27 =	simm.s32 $execute0_lowered;
	[smem:$0x3FD2] =	sst s26  }
0x1e: {  	s5 =	sshll.u32 s27, $0x1;
	_ =	strace $0x80000049;
	[dreg:$0x1] =	wrdreg $0xFFFFFFFF  }
0x1f: {  	s28 =	simm.s32 $_size_execute0_lowered;
	s3 =	sadd.s32 s3, s5;
	[dreg:$0x0] =	wrdreg $0x0  }
0x20: {  	s5 =	sshll.u32 s28, $0x1;
	[dreg:$0x2] =	wrdreg s3  }
0x21: {  	[dreg:$0x3] =	wrdreg s5  }
0x22: {  	[dreg:$0x4] =	wrdreg $0xC0  }
0x23: {  	_ =	task [dreg:s7], $0x5FFFF  }
0x24: {  	[dreg:$0x1] =	wrdreg $0xFFFFFFFF  }
0x25: {  	[dreg:$0x0] =	wrdreg $0x60  }
0x26: {  	[dreg:$0x2] =	wrdreg s25  }
0x27: {  	[dreg:$0x3] =	wrdreg s2  }
0x28: {  	[dreg:$0x4] =	wrdreg $0x9  }
0x29: {  	_ =	task.clear_ibuf [dreg:s7], $0x5FFFF;
	_ =	strace $0x90000049  }
0x2a: {  	s29 =	simm.s32 $0x9;
	_ =	strace $0x8000004B  }
0x2b: {  	_ =	swait.ge [sflag:s29], $0x1  }
0x2c: {  	[sflag:s29] =	ssyncadd.s32 $0xFFFFFFFF  }
0x2d: {  	_ =	strace $0x9000004B  }
0x2e: {  	_ =	sfence  }
0x2f: {  	s30 =	sld [smem:$0x0];
	_ =	sdelay $0x2  }
0x30: {  	s31 =	sshll.u32 s1, $0xD;
	s1 =	sshrl.u32 s1, $0x2  }
0x31: {  	s3 =	sand.u32 $0x4000, s31;
	s1 =	sadd.s32 s1, s30  }
0x32: {  	s0 =	sor.u32 s3, s0;
	s1 =	sshll.u32 s1, $0x11  }
0x33: {  	s0 =	sor.u32 s1, s0  }
0x34: {  	s0 =	sadd.s32 $0x8F2B, s0  }
0x35: {  	[sflag:s0] =	ssyncadd.remote.s32 $0x1  }
0x36: {  	_ =	sfence.sel $0xFFFF  }
0x37: {  	[dreg:$0x0] =	wrdreg $0xFFFFFFFF;
	(pc) =	sbr.abs _section_cstart, $3  }
0x38: {  	[dreg:$0x1] =	wrdreg $0xFFFFFFFF  }
0x39: {  	_ =	task.clear_ibuf [dreg:s7], $0x2FFFF;
	_ =	strace $0x9FFFFFFF  }
0x3a: {  	(tm) =	ssettm $0x7FFFFFFF  }
0x3b: {  	_ =	shalt  }
tec
execute0_lowered:
.L_overlay_start_1:
0x0: {  	(tag) =	ssettag $0x1  }
0x1: {  	s0 =	srdreg.scid  }
0x2: {  	s1 =	sshll.u32 s0, $0x4  }
0x3: {  	s0 =	stileid.u32;
	s1 =	sand.u32 $0x10, s1  }
0x4: {  	s7 =	rddreg [dreg:$0x0];
	s1 =	sor.u32 s0, s1  }
0x5: {  	s4 =	simm.s32 $0x1;
	s8 =	simm.s32 $0x2;
	s2 =	sshll.u32 s1, $0x7  }
0x6: {  	s13 =	simm.s32 $0x0;
	s9 =	simm.s32 $0x20000;
	s1 =	ssub.s32 $0x4000, s2  }
0x7: {  	s14 =	simm.s32 $0x0;
	s11 =	simm.s32 $0x0;
	s3 =	sand.u32 $0xF80, s1  }
0x8: {  	s12 =	simm.s32 $0x0;
	s5 =	sshrl.u32 s1, $0xC;
	p0 =	sne.s32 s3, $0x0  }
.Ltmp0:
0x9: {  	s1 =	rddreg [dreg:$0x2];
	s4 =	simm.s32 @!p0 $0x0;
	(pc) =	sbr.rel .LBB1_1-.Ltmp0, $4  }
0xa: {  	s6 =	sadd.s32 $0xA00, s7;
	s3 =	rddreg [dreg:$0x1];
	s5 =	sadd.s32 s4, s5  }
0xb: {  	_ =	strace $0x8000004A;
	s4 =	simm.s32 $0x1;
	s5 =	smul.u32 $0x19, s5  }
0xc: {  	s7 =	sadd.s32 $0x40A00, s7;
	s10 =	smov.u32 s2;
	[sflag:s4] =	ssyncpa.u1 $0x0  }
0xd: {  	p0 =	por $0x0, $0x0;
	[sflag:s8] =	ssyncpa.u1 $0x0;
	s8 =	sadd.s32 $0x1, s5  }
.LBB1_7:
0xe: {  	s15 =	sadd.s32 $0x1000, s10  }
0xf: {  	s13 =	sadd.s32 $0x2, s11;
	s17 =	smov.u32 s11;
	p2 =	sgt.s32 s15, $0x3FFF  }
0x10: {  	s17 =	smov.u32 @p2 s13  }
0x11: {  	s15 =	smov.u32 @p2 s2;
	p2 =	sgt.s32 s17, $0x31  }
0x12: {  	s17 =	simm.s32 @p2 $0x0;
	p2 =	sne.s32 s12, s8  }
.Ltmp1:
0x13: {  	p1 =	slt.u32 s12, $0x2;
	(pc) =	sbr.rel @!p2 .LBB1_8-.Ltmp1, $4  }
0x14: {  	s16 =	simm.s32 @!p1 $0x2  }
0x15: {  	s14 =	smov.u32 s11;
	p0 =	por !p0, !p0;
	_ =	swait.ge @!p1 [sflag:s16], $0x4000  }
0x16: {  	s13 =	smov.u32 s10;
	[sflag:s16] =	ssyncset.done @!p1 $0x0;
	s10 =	smov.u32 s15  }
0x17: {  	s12 =	sadd.s32 $0x1, s12;
	[sflag:s16] =	ssyncadd.s32 @!p1 $0xFFFFC000;
	s11 =	smov.u32 s17  }
.LBB1_1:
0x18: {  	p1 =	sge.u32 s12, s5  }
0x19: {  	s15 =	sxor.u32 @!p1 $0xFFFFFFFF, s12;
	s16 =	sshll.u32 @!p1 s11, $0x12  }
0x1a: {  	s17 =	sshll.u32 @!p1 s10, $0x4;
	s19 =	simm.s32 @!p1 $0x40;
	s20 =	simm.s32 @!p1 $0x80  }
0x1b: {  	s15 =	sshll.u32 @!p1 s15, $0xE;
	s17 =	sand.u32 @!p1 $0x3FFF0, s17;
	s18 =	sadd.s32 @!p1 s6, s16  }
0x1c: {  	s16 =	sadd.s32 @!p1 s16, s7;
	s15 =	sand.u32 @!p1 $0x4000, s15;
	s18 =	sadd.s32 @!p1 s17, s18  }
0x1d: {  	[tilespmem:s15], [sflag:$0x1] =	stream.strided.gather @!p1 [hbm4b:s18+s19], $0x2000, s20, s19, $0x38;
	[tilespmem:$0x10100] =	vst v63  }
0x1e: {  	s31 =	sadd.s32 $0xFFFFFFFF, s12;
	s16 =	sadd.s32 @!p1 s17, s16;
	s15 =	sor.u32 @!p1 $0x2000, s15  }
0x1f: {  	[tilespmem:s15], [sflag:$0x1] =	stream.strided.gather @!p1 [hbm4b:s16+s19], $0x2000, s20, s19, $0x38;
	[tilespmem:$0x10100] =	vst v63  }
0x20: {  	p1 =	sge.u32 s31, s5  }
.Ltmp2:
0x21: {  	_ = 	snop;
	(pc) =	sbr.rel @p1 .LBB1_7-.Ltmp2, $1  }
0x22: {  	_ =	sdelay $0x3  }
0x23: {  	s15 =	simm.s32 $0x1;
	s17 =	sand.u32 $0x1, s12  }
0x24: {  	_ =	swait.ge [sflag:s4], $0x4000;
	s15 =	simm.s32 @!p0 $0x0;
	s17 =	smul.u32 $0x10200, s17  }
0x25: {  	p2 =	por $0x1, $0x1;
	[sflag:s4] =	ssyncset.done $0x0;
	s16 =	smul.u32 $0x10200, s15  }
0x26: {  	s18 =	sshll.u32 s15, $0x10;
	[sflag:s4] =	ssyncadd.s32 $0xFFFFC000;
	s30 =	sshrl.u32 s17, $0x2  }
0x27: {  	s31 =	sshrl.u32 s18, $0x2;
	s18 =	simm.s32 $0x0;
	s16 =	sshrl.u32 s16, $0x2  }
0x28: {  	s15 =	sor.u32 $0x8000, s30;
	s17 =	sadd.s32 $0x20, s31;
	s16 =	sor.u32 $0x8000, s16  }
.LBB1_3:
0x29: {  	s19 =	sshll.u32 s18, $0xD  }
0x2a: {  	s19 =	sand.u32 $0x3FFFE000, s19  }
0x2b: {  	s21 =	sadd.s32 s19, s17  }
0x2c: {  	s31 =	smul.u32 $0x8100, s18;
	v3 =	vld [tilespmem:s21+$0x10]  }
0x2d: {  	v1 =	vld [tilespmem:s21+$0xFFFFFFF0]  }
0x2e: {  	s18 =	sshra.s32 s31, $0x2;
	v0 =	vld [tilespmem:s21+$0x0]  }
0x2f: {  	s18 =	sadd.s32 s18, s16;
	v2 =	vld [tilespmem:s21+$0xFFFFFFE0]  }
0x30: {  	s19 =	sadd.s32 $0x0, s18  }
0x31: {  	p1 =	por p2, p2;
	s20 =	simm.s32 $0x4;
	s21 =	sadd.s32 $0x40, s21;
	[tilespmem:s19+$0x1830 ss:$0x81] =	vst.msk $0xffff, v3  }
.LBB1_4:
0x32: {  	v3 =	vld [tilespmem:s21+$0x10];
	p2 =	sne.s32 s20, $0x1FC;
	[tilespmem:s19+$0x810 ss:$0x81] =	vst.msk $0xffff, v1;
	s22 =	smov.u32 s20;
	s20 =	sadd.s32 $0x4, s20  }
.Ltmp3:
0x33: {  	v1 =	vld [tilespmem:s21+$0xFFFFFFF0];
	[tilespmem:s19+$0x1020 ss:$0x81] =	vst.msk $0xffff, v0;
	(pc) =	sbr.rel @p2 .LBB1_4-.Ltmp3, $4  }
0x34: {  	v0 =	vld [tilespmem:s21+$0x0];
	[tilespmem:s19+$0x0 ss:$0x81] =	vst.msk $0xffff, v2  }
0x35: {  	s19 =	sshra.s32 s22, $0x2;
	v2 =	vld [tilespmem:s21+$0xFFFFFFE0]  }
0x36: {  	s19 =	sadd.s32 s19, s18  }
0x37: {  	s21 =	sadd.s32 $0x40, s21;
	[tilespmem:s19+$0x1830 ss:$0x81] =	vst.msk $0xffff, v3  }
.Ltmp4:
0x38: {  	(pc) =	sbr.rel @p1 .LBB1_3-.Ltmp4, $4  }
0x39: {  	_ = 	snop  }
0x3a: {  	[tilespmem:s19+$0x810 ss:$0x81] =	vst.msk $0xffff, v1  }
0x3b: {  	[tilespmem:s19+$0x1020 ss:$0x81] =	vst.msk $0xffff, v0  }
0x3c: {  	s18 =	simm.s32 $0x1;
	p2 =	por $0x0, $0x0;
	[tilespmem:s19+$0x0 ss:$0x81] =	vst.msk $0xffff, v2  }
0x3d: {  	s16 =	sshll.u32 s13, $0x3;
	s17 =	sand.u32 $0x78, s13;
	s14 =	sshll.u32 s14, $0x11  }
.Ltmp5:
0x3e: {  	s30 =	sand.u32 $0x1F800, s13;
	s16 =	sand.u32 $0x3C00, s16;
	(pc) =	sbr.rel .LBB1_7-.Ltmp5, $4  }
0x3f: {  	s31 =	sand.u32 $0x7, s13;
	s14 =	sadd.s32 s3, s14;
	s16 =	sor.u32 s17, s16  }
0x40: {  	s13 =	sshll.u32 s31, $0x12;
	s14 =	sadd.s32 s30, s14;
	s16 =	sshrl.u32 s16, $0x3  }
0x41: {  	s13 =	sor.u32 $0x400, s13;
	s14 =	sadd.s32 s16, s14  }
0x42: {  	[hbm4b:s14+s13] =	stream.strided.scatter [tilespmem:s15], [sflag:$0x2], $0x4000, s9, s13, $0x20;
	[tilespmem:$0x10100] =	vst v63  }
.LBB1_8:
0x43: {  	_ =	sfence.sel $0x180000  }
0x44: {  	s2 =	simm.s32 $0x1;
	[bflag:$0x0] =	sbarrier.arrive $0xFFFF  }
0x45: {  	s31 =	simm.s32 $0x2;
	[sflag:s2] =	ssyncpa.u1 $0x1  }
0x46: {  	[sflag:s31] =	ssyncpa.u1 $0x1  }
0x47: {  	p0 =	sne.s32 s0, $0x0;
	_ =	strace $0x9000004A  }
0x48: {  	s0 =	sadd.s32 @!p0 $0x100000, s1;
	[bflag:$0x2] =	sbarrier.arrive $0xFFFF  }
0x49: {  	[sflag:s0] =	ssyncadd.tile.s32 @!p0 $0x1;
	_ =	shalt  }
.Lfunc_end1:
_tile_overlayer_lowered:
.L_overlay_start_2:
0x4a: {  	(tag) =	ssettag $0x2  }
0x4b: {  	s0 =	rddreg [dreg:$0x0];
	s2 =	stileid.u32  }
0x4c: {  	s1 =	rddreg [dreg:$0x1];
	p0 =	sne.s32 s2, $0x0  }
0x4d: {  	s3 =	rddreg [dreg:$0x2];
	[bflag:$0x3] =	sbarrier.arrive $0xFFFF;
	s2 =	simm.s32 @!p0 $0x1C01  }
0x4e: {  	[timem:s3], [sflag:s2] =	dma.local @!p0 [hbm:s0], s1  }
0x4f: {  	s0 =	simm.s32 @!p0 $0x1  }
0x50: {  	_ =	swait.ge @!p0 [sflag:s0], s1  }
0x51: {  	s1 =	ssub.s32 @!p0 $0x0, s1;
	[sflag:s0] =	ssyncset.done @!p0 $0x0  }
0x52: {  	[sflag:s0] =	ssyncadd.s32 @!p0 s1  }
0x53: {  	[bflag:$0x3] =	sbarrier.arrive $0xFFFF  }
0x54: {  	_ =	shalt  }

</sc_bundles>
